<compile_context>
chip_gen: v7x
topology: tpu7x:2x2x1
jax: 0.10.2.dev20260603
libtpu: 0.0.44.dev20260713+nightly
codegen_flags: <defaults>
</compile_context>

<pallas_src>
import jax
import jax.numpy as jnp
import numpy as np
from jax import lax
from jax.experimental import pallas as pl
from jax.experimental.pallas import tpu as pltpu
from jax.experimental.pallas import tpu_sc as plsc

N_NODES = 50000
N_EDGES = 800000
MUL = 16
X_DIM = 64
HIDDEN = 64
EPS = 0.25
SQRT3 = 1.7320508075688772

BE = 6400



def _mats():
    m = {}
    def w1q(W1):
        return jnp.concatenate([W1] * 4, axis=1) * (EPS / 8.0)
    m['w1q'] = w1q
    b3 = np.zeros((3, 4 * MUL), np.float32)
    for i in range(3):
        b3[i, MUL * (i + 1):MUL * (i + 2)] = SQRT3
    m['b3'] = b3
    m['ones3'] = np.ones((3, 4 * MUL), np.float32)
    d = np.zeros((4 * MUL, 4 * MUL), np.float32)
    for c in range(MUL):
        for i in range(4):
            d[c, MUL * i + c] = 1.0
    p64 = np.zeros((4 * MUL, 4 * MUL), np.float32)
    for c in range(MUL):
        for i in range(4):
            p64[4 * c + i, MUL * i + c] = 1.0
    eye = np.eye(4 * MUL, dtype=np.float32)
    m['cA'] = np.concatenate([p64, p64 @ d], axis=1)
    m['cB'] = np.concatenate([d, eye], axis=1)
    scat = []
    for i in range(1, 4):
        s_i = np.zeros((MUL, 3 * MUL), np.float32)
        for o in range(MUL):
            s_i[o, 3 * o + (i - 1)] = 1.0
        scat.append(s_i)
    m['lscat'] = scat

    def lmat(Wlin):
        s = 1.0 / np.sqrt(np.float32(2 * MUL))
        wl0 = Wlin[0:MUL] * s
        wl1 = Wlin[MUL:2 * MUL] * s
        z = jnp.zeros((MUL, 3 * MUL), jnp.float32)
        rows = [z] + [wl0 @ s_i for s_i in m['lscat']]
        rows += [z] + [wl1 @ s_i for s_i in m['lscat']]
        return jnp.concatenate(rows, axis=0)
    m['lmat'] = lmat
    r = np.zeros((4 * MUL, 2 * MUL), np.float32)
    for c in range(MUL):
        r[c, c] = 1.0
        for i in range(1, 4):
            r[MUL * i + c, MUL + c] = 1.0 / SQRT3
    m['r'] = r
    return m


_M = _mats()




def _mm_l(a, w):
    return lax.dot_general(a, w, (((0,), (0,)), ((), ())),
                           preferred_element_type=jnp.float32)


def _mm_r(w, a):
    return lax.dot_general(w, a, (((1,), (1,)), ((), ())),
                           preferred_element_type=jnp.float32)


def _pass1_body(xt_ref, vect_ref, w1q_ref, b3_ref, msg_ref):
    xt = xt_ref[...]
    vt = vect_ref[...]
    n2 = jnp.sum(vt * vt, axis=0, keepdims=True)
    r = 1.0 / jnp.maximum(jnp.sqrt(n2), 1e-9)
    ut = vt * r
    wmat = _mm_l(xt, w1q_ref[...])
    ue = _mm_l(ut, b3_ref[...])
    lane = lax.broadcasted_iota(jnp.int32, (BE, 4 * MUL), 1)
    one0 = jnp.where(lane < MUL, 1.0, 0.0)
    msg = wmat * (ue + one0)
    msg_ref[...] = jnp.concatenate([msg[0:BE // 2], msg[BE // 2:]], axis=1)


def _pass1(xt, vect, W1):
    grid = N_EDGES // BE
    return pl.pallas_call(
        _pass1_body,
        grid=(grid,),
        in_specs=[
            pl.BlockSpec((X_DIM, BE), lambda i: (0, i)),
            pl.BlockSpec((3, BE), lambda i: (0, i)),
            pl.BlockSpec((X_DIM, 4 * MUL), lambda i: (0, 0)),
            pl.BlockSpec((3, 4 * MUL), lambda i: (0, 0)),
        ],
        out_specs=[pl.BlockSpec((BE // 2, 8 * MUL), lambda i: (i, 0))],
        out_shape=[jax.ShapeDtypeStruct((N_EDGES // 2, 8 * MUL), jnp.float32)],
    )(xt, vect, _M['w1q'](W1), _M['b3'])[0]



def _pass2_body(xt_ref, vT_ref, wy_ref, vect_ref, ca_ref, cb_ref, lt_ref,
                w2axt_ref, w2apt_ref, w2bt_ref, w2ct_ref,
                xout_ref, vout_ref):
    wy2 = wy_ref[...]
    wy = jnp.concatenate([wy2[:, 0:4 * MUL], wy2[:, 4 * MUL:]], axis=0)
    vT = vT_ref[...]
    a = _mm_l(vT, ca_ref[...])
    b = jnp.dot(wy, cb_ref[...], preferred_element_type=jnp.float32)
    c2 = a * b
    vout_ref[...] = _mm_r(lt_ref[...], c2)
    p = wy * a[:, 0:4 * MUL]
    xt = xt_ref[...]
    pre = (jnp.dot(w2axt_ref[...], xt, preferred_element_type=jnp.float32)
           + _mm_r(w2apt_ref[...], p))
    h = pre * jax.nn.sigmoid(pre)
    h2 = jnp.dot(w2bt_ref[...], h, preferred_element_type=jnp.float32)
    h2 = h2 * jax.nn.sigmoid(h2)
    h3 = jnp.dot(w2ct_ref[...], h2, preferred_element_type=jnp.float32)
    vt = vect_ref[...]
    n2 = jnp.sum(vt * vt, axis=0, keepdims=True)
    t = n2 * n2 * n2
    u = jnp.sqrt(n2)
    env = jnp.where(n2 < 1.0, 1.0 - t * (28.0 - 48.0 * u + 21.0 * n2), 0.0)
    xout_ref[...] = env * h3


def _pass2(xt, VT, wy, vect, W2a, W2b, W2c, Wlin):
    s96 = 1.0 / np.sqrt(np.float32(X_DIM + 2 * MUL))
    w2axt = (W2a[0:X_DIM] * s96).T
    w2apt = ((_M['r'] @ W2a[X_DIM:]) * s96).T
    w2bt = (W2b * (1.0 / 8.0)).T
    w2ct = (W2c * (1.0 / 8.0)).T
    lt = _M['lmat'](Wlin).T
    grid = N_EDGES // BE
    return pl.pallas_call(
        _pass2_body,
        grid=(grid,),
        in_specs=[
            pl.BlockSpec((X_DIM, BE), lambda i: (0, i)),
            pl.BlockSpec((4 * MUL, BE), lambda i: (0, i)),
            pl.BlockSpec((BE // 2, 8 * MUL), lambda i: (i, 0)),
            pl.BlockSpec((3, BE), lambda i: (0, i)),
            pl.BlockSpec((4 * MUL, 8 * MUL), lambda i: (0, 0)),
            pl.BlockSpec((4 * MUL, 8 * MUL), lambda i: (0, 0)),
            pl.BlockSpec((3 * MUL, 8 * MUL), lambda i: (0, 0)),
            pl.BlockSpec((HIDDEN, X_DIM), lambda i: (0, 0)),
            pl.BlockSpec((HIDDEN, 4 * MUL), lambda i: (0, 0)),
            pl.BlockSpec((HIDDEN, HIDDEN), lambda i: (0, 0)),
            pl.BlockSpec((HIDDEN, HIDDEN), lambda i: (0, 0)),
        ],
        out_specs=[
            pl.BlockSpec((HIDDEN, BE), lambda i: (0, i)),
            pl.BlockSpec((3 * MUL, BE), lambda i: (0, i)),
        ],
        out_shape=[
            jax.ShapeDtypeStruct((HIDDEN, N_EDGES), jnp.float32),
            jax.ShapeDtypeStruct((3 * MUL, N_EDGES), jnp.float32),
        ],
    )(xt, VT, wy, vect, _M['cA'], _M['cB'], lt,
      w2axt, w2apt, w2bt, w2ct)


SUB = 125
ROWS = N_EDGES // SUB
NS = 16
NC = 2
RPT = ROWS // NS
CH = 2
NCHUNK = RPT // CH
NZ = N_NODES // NS


def _sc_body(msg_hbm, snd_hbm, zeros_hbm, wy_hbm, idx_v, data_v, table_sh,
             li0, li1, ld0, ld1, st0, st1):
    cid = lax.axis_index("c")
    tid = lax.axis_index("s")
    base = tid * RPT
    lane0 = cid * (2 * MUL)
    lsem = (li0, li1)
    dsem = (ld0, ld1)
    ssem = (st0, st1)

    def idx_dst(s):
        return idx_v.at[pl.ds(2 * s, CH)]

    def dat_dst(s):
        return data_v.at[pl.ds(2 * s, CH)]

    def snd_src(k):
        return snd_hbm.at[pl.ds(base + k * CH, CH)]

    def msg_src(k):
        return msg_hbm.at[pl.ds(base + k * CH, CH), :, pl.ds(lane0, 2 * MUL)]

    def wy_dst(k):
        return wy_hbm.at[pl.ds(base + k * CH, CH), :, pl.ds(lane0, 2 * MUL)]

    pltpu.sync_copy(zeros_hbm, table_sh.at[pl.ds(tid * NZ, NZ)])
    plsc.subcore_barrier()

    for s in range(2):
        pltpu.async_copy(snd_src(s), idx_dst(s), lsem[s])
        pltpu.async_copy(msg_src(s), dat_dst(s), dsem[s])

    def scat(i, carry):
        for s in range(2):
            k = 2 * i + s
            pltpu.make_async_copy(snd_src(k), idx_dst(s), lsem[s]).wait()
            pltpu.make_async_copy(msg_src(k), dat_dst(s), dsem[s]).wait()
            for j in range(CH):
                pltpu.sync_copy(data_v.at[2 * s + j],
                                table_sh.at[idx_v.at[2 * s + j]], add=True)

            @pl.when(k + 2 < NCHUNK)
            def _():
                pltpu.async_copy(snd_src(k + 2), idx_dst(s), lsem[s])
                pltpu.async_copy(msg_src(k + 2), dat_dst(s), dsem[s])
        return carry

    lax.fori_loop(0, NCHUNK // 2, scat, 0)
    plsc.subcore_barrier()

    for s in range(2):
        pltpu.async_copy(snd_src(s), idx_dst(s), lsem[s])

    def gath(i, carry):
        for s in range(2):
            k = 2 * i + s
            pltpu.make_async_copy(snd_src(k), idx_dst(s), lsem[s]).wait()

            @pl.when(k >= 2)
            def _():
                pltpu.make_async_copy(dat_dst(s), wy_dst(k - 2),
                                      ssem[s]).wait()
            for j in range(CH):
                pltpu.sync_copy(table_sh.at[idx_v.at[2 * s + j]],
                                data_v.at[2 * s + j])
            pltpu.async_copy(dat_dst(s), wy_dst(k), ssem[s])

            @pl.when(k + 2 < NCHUNK)
            def _():
                pltpu.async_copy(snd_src(k + 2), idx_dst(s), lsem[s])
        return carry

    lax.fori_loop(0, NCHUNK // 2, gath, 0)
    pltpu.make_async_copy(dat_dst(0), wy_dst(NCHUNK - 2), st0).wait()
    pltpu.make_async_copy(dat_dst(1), wy_dst(NCHUNK - 1), st1).wait()


def _segment_mid(msg, senders):
    msg_r = msg.reshape(ROWS, SUB, 4 * MUL)
    snd_r = senders.reshape(ROWS, SUB)
    zeros = jnp.zeros((NZ, 2 * MUL), jnp.float32)
    mesh = plsc.VectorSubcoreMesh(core_axis_name="c", subcore_axis_name="s",
                                  num_cores=NC, num_subcores=NS)
    wy = pl.kernel(
        _sc_body,
        out_type=jax.ShapeDtypeStruct((ROWS, SUB, 4 * MUL), jnp.float32),
        mesh=mesh,
        compiler_params=pltpu.CompilerParams(use_tc_tiling_on_sc=False),
        scratch_types=[
            pltpu.VMEM((2 * CH, SUB), jnp.int32),
            pltpu.VMEM((2 * CH, SUB, 2 * MUL), jnp.float32),
            pltpu.VMEM_SHARED((N_NODES, 2 * MUL), jnp.float32),
            pltpu.SemaphoreType.DMA,
            pltpu.SemaphoreType.DMA,
            pltpu.SemaphoreType.DMA,
            pltpu.SemaphoreType.DMA,
            pltpu.SemaphoreType.DMA,
            pltpu.SemaphoreType.DMA,
        ],
    )(msg_r, snd_r, zeros)
    return wy.reshape(N_EDGES // 2, 8 * MUL)


def kernel(vectors, x, V, senders, species, W1, W2a, W2b, W2c, Wlin):
    xt = x.T
    VT = V.T
    vect = vectors.T
    perm = np.arange(N_EDGES).reshape(-1, 2, BE // 2)
    perm = perm.transpose(0, 2, 1).reshape(-1).astype(np.int32)
    sp = jnp.take(senders, jnp.asarray(perm), axis=0)
    msg = _pass1(xt, vect, W1)
    wy = _segment_mid(msg, sp)
    xout_t, vout_t = _pass2(xt, VT, wy, vect, W2a, W2b, W2c, Wlin)
    return xout_t.T, vout_t.T

# --- scband reference (transcript-rebuilt; emitter-appended) ---
"""Pipeline reference for scband-allegro-layer-56109452755160 (READ-ONLY COPY).

The authoritative reference and input builder live on the scoring server;
editing this copy changes nothing except your own understanding.
"""

import jax, jax.numpy as jnp
import numpy as np

N_NODES = 50000
N_EDGES = 800000
MUL = 16
X_DIM = 64
HIDDEN = 64
EPSILON = 0.25
ENV_P = 6


def _spherical_harmonics(vectors):
    # l=0,1 real spherical harmonics, normalize=True, component normalization
    n = jnp.linalg.norm(vectors, axis=-1, keepdims=True)
    u = vectors / jnp.maximum(n, 1e-9)
    y0 = jnp.ones((vectors.shape[0], 1), dtype=vectors.dtype)
    y1 = jnp.sqrt(3.0) * u
    return jnp.concatenate([y0, y1], axis=-1)  # (E, 4)


def _envelope(u, p):
    # SmoothingEnvelope: polynomial envelope of order p, zero for u >= 1
    c1 = (p + 1.0) * (p + 2.0) / 2.0
    c2 = p * (p + 2.0)
    c3 = p * (p + 1.0) / 2.0
    val = 1.0 - c1 * u ** p + c2 * u ** (p + 1) - c3 * u ** (p + 2)
    return jnp.where(u < 1.0, val, jnp.zeros_like(val))


def _forward(vectors, x, V, W1, W2a, W2b, W2c, Wlin, senders, species):
    num_nodes = species.shape[0]
    num_edges = vectors.shape[0]
    # two-body MLP -> per-channel weights w (e3nn MLP: linear, fan-in normalized, no activation)
    w = (x @ W1) / jnp.sqrt(jnp.asarray(x.shape[-1], jnp.float32))  # (E, MUL)
    Y = _spherical_harmonics(vectors)  # (E, 4)
    # scatter_sum over senders with map_back=True, scaled by epsilon
    msg = w[:, :, None] * Y[:, None, :]  # (E, MUL, 4)
    node_sum = jax.ops.segment_sum(msg, senders, num_segments=num_nodes)
    wY = node_sum[senders] * EPSILON  # (E, MUL, 4), irreps per channel: 0e + 1o
    # tensor product wY x V.mul_to_axis(), filter_ir_out = 0e + 1o
    s_w = wY[:, :, 0]
    v_w = wY[:, :, 1:]
    Vm = V.reshape(num_edges, MUL, 4)
    s_v = Vm[:, :, 0]
    v_v = Vm[:, :, 1:]
    sc0 = s_w * s_v                                   # 0e x 0e -> 0e
    sc1 = jnp.sum(v_w * v_v, axis=-1) / jnp.sqrt(3.0)  # 1o x 1o -> 0e (CG 1/sqrt(3))
    scalars = jnp.concatenate([sc0, sc1], axis=1)      # (E, 2*MUL), axis_to_mul of 0e part
    vec0 = s_w[:, :, None] * v_v                       # 0e x 1o -> 1o
    vec1 = v_w * s_v[:, :, None]                       # 1o x 0e -> 1o
    vecs = jnp.concatenate([vec0, vec1], axis=1)       # (E, 2*MUL, 3)
    # concatenate 0e scalars onto x, drop them from V
    x2 = jnp.concatenate([x, scalars], axis=1)         # (E, X_DIM + 2*MUL)
    # latent MLP: mlp_n_layers hidden layers of mlp_n_hidden, silu, no output activation
    h = jax.nn.silu((x2 @ W2a) / jnp.sqrt(jnp.asarray(x2.shape[-1], jnp.float32)))
    h = jax.nn.silu((h @ W2b) / jnp.sqrt(jnp.asarray(HIDDEN, jnp.float32)))
    h = (h @ W2c) / jnp.sqrt(jnp.asarray(HIDDEN, jnp.float32))
    lengths = jnp.linalg.norm(vectors, axis=-1, keepdims=True)
    x_out = _envelope(lengths, float(ENV_P)) * h       # (E, HIDDEN)
    # e3nn Linear to output irreps (only reachable 1o kept): 2*MUL -> MUL channels of 1o
    V_out = jnp.einsum('eci,co->eoi', vecs, Wlin) / jnp.sqrt(jnp.asarray(2 * MUL, jnp.float32))
    V_out = V_out.reshape(num_edges, MUL * 3)
    return x_out, V_out


def setup_inputs(seed: int = 0):
    key = jax.random.key(seed)
    ks = jax.random.split(key, 10)
    return {
        'vectors': jax.random.normal(ks[0], (N_EDGES, 3), jnp.float32),
        'x': jax.random.normal(ks[1], (N_EDGES, X_DIM), jnp.float32),
        'V': jax.random.normal(ks[2], (N_EDGES, MUL * 4), jnp.float32),
        'senders': jax.random.randint(ks[3], (N_EDGES,), 0, N_NODES, dtype=jnp.int32),
        'species': jax.random.randint(ks[4], (N_NODES,), 0, 10, dtype=jnp.int32),
        'W1': jax.random.normal(ks[5], (X_DIM, MUL), jnp.float32),
        'W2a': jax.random.normal(ks[6], (X_DIM + 2 * MUL, HIDDEN), jnp.float32),
        'W2b': jax.random.normal(ks[7], (HIDDEN, HIDDEN), jnp.float32),
        'W2c': jax.random.normal(ks[8], (HIDDEN, HIDDEN), jnp.float32),
        'Wlin': jax.random.normal(ks[9], (2 * MUL, MUL), jnp.float32),
    }


def reference(vectors, x, V, senders, species, W1, W2a, W2b, W2c, Wlin):
    return _forward(vectors, x, V, W1, W2a, W2b, W2c, Wlin, senders, species)

if __name__ == "__main__":
    import jax
    _d = setup_inputs()
    print(jax.jit(kernel)(*tuple(_d.values())))

</pallas_src>

<mosaic_0001>
#map = affine_map<(d0, d1) -> (0, 0, 0)>
#map1 = affine_map<(d0, d1) -> (0, 0)>
module attributes {stable_mosaic.version = 14 : i64} {
  func.func @_sc_body(%arg0: i32, %arg1: i32, %arg2: memref<6400x125x64xf32, #tpu.memory_space<hbm>>, %arg3: memref<6400x125xi32, #tpu.memory_space<hbm>>, %arg4: memref<3125x32xf32, #tpu.memory_space<hbm>>, %arg5: memref<6400x125x64xf32, #tpu.memory_space<hbm>>, %arg6: memref<4x125xi32, #tpu.memory_space<vmem>>, %arg7: memref<4x125x32xf32, #tpu.memory_space<vmem>>, %arg8: memref<50000x32xf32, #tpu.memory_space<vmem_shared>>, %arg9: memref<!tpu.dma_semaphore, #tpu.memory_space<semaphore_mem>>, %arg10: memref<!tpu.dma_semaphore, #tpu.memory_space<semaphore_mem>>, %arg11: memref<!tpu.dma_semaphore, #tpu.memory_space<semaphore_mem>>, %arg12: memref<!tpu.dma_semaphore, #tpu.memory_space<semaphore_mem>>, %arg13: memref<!tpu.dma_semaphore, #tpu.memory_space<semaphore_mem>>, %arg14: memref<!tpu.dma_semaphore, #tpu.memory_space<semaphore_mem>>) attributes {dimension_semantics = [#tpu.dimension_semantics<core_parallel>, #tpu.dimension_semantics<subcore_parallel>], iteration_bounds = array<i64: 2, 16>, scalar_prefetch = 0 : i64, scratch_operands = 9 : i64, tpu.core_type = #tpu.core_type<sc_vector_subcore>, window_params = [{transform_indices = #map}, {transform_indices = #map1}, {transform_indices = #map1}, {transform_indices = #map}]} {
    %mul3A = arith.constant 400 : i32
    %mul3A_0 = arith.muli %arg1, %mul3A : i32
    %mul3A_1 = arith.constant 32 : i32
    %mul3A_2 = arith.muli %arg0, %mul3A_1 : i32
    %mul3A_3 = arith.constant 3125 : i32
    %mul3A_4 = arith.muli %arg1, %mul3A_3 : i32
    "tpu.region"() ({
      %run_scoped3A = tpu.sem_alloc : memref<!tpu.dma_semaphore, #tpu.memory_space<semaphore_mem>>
      %dma_start3A_118 = arith.constant 0 : i32
      %dma_start3A_119 = tpu.memref_slice %arg8[%mul3A_4, %dma_start3A_118] : memref<50000x32xf32, #tpu.memory_space<vmem_shared>> -> memref<3125x32xf32, #tpu.memory_space<vmem_shared>>
      tpu.enqueue_dma source(%arg4 : memref<3125x32xf32, #tpu.memory_space<hbm>>) target(%dma_start3A_119 : memref<3125x32xf32, #tpu.memory_space<vmem_shared>>) target_semaphore(%run_scoped3A : memref<!tpu.dma_semaphore, #tpu.memory_space<semaphore_mem>>)
      %dma_wait3A_120 = arith.constant 0 : i32
      %dma_wait3A_121 = tpu.memref_slice %arg8[%mul3A_4, %dma_wait3A_120] : memref<50000x32xf32, #tpu.memory_space<vmem_shared>> -> memref<3125x32xf32, #tpu.memory_space<vmem_shared>>
      tpu.wait_dma2 semaphore(%run_scoped3A : memref<!tpu.dma_semaphore, #tpu.memory_space<semaphore_mem>>) src(%arg4 : memref<3125x32xf32, #tpu.memory_space<hbm>>) dst(%dma_wait3A_121 : memref<3125x32xf32, #tpu.memory_space<vmem_shared>>)
      tpu.yield
    }) : () -> ()
    %barrier3A = arith.constant 0 : index
    tpu.barrier barrier_id(%barrier3A)
    %add3A = arith.constant 0 : i32
    %add3A_5 = arith.addi %mul3A_0, %add3A : i32
    %dma_start3A = arith.constant 0 : i32
    %dma_start3A_6 = arith.constant 0 : i32
    %dma_start3A_7 = tpu.memref_slice %arg6[%dma_start3A, %dma_start3A_6] : memref<4x125xi32, #tpu.memory_space<vmem>> -> memref<2x125xi32, #tpu.memory_space<vmem>>
    %dma_start3A_8 = arith.constant 0 : i32
    %dma_start3A_9 = tpu.memref_slice %arg3[%add3A_5, %dma_start3A_8] : memref<6400x125xi32, #tpu.memory_space<hbm>> -> memref<2x125xi32, #tpu.memory_space<hbm>>
    %dma_start3A_10 = arith.constant 0 : i32
    %dma_start3A_11 = arith.constant 0 : i32
    %dma_start3A_12 = tpu.memref_slice %arg6[%dma_start3A_10, %dma_start3A_11] : memref<4x125xi32, #tpu.memory_space<vmem>> -> memref<2x125xi32, #tpu.memory_space<vmem>>
    %dma_start3A_13 = arith.constant 0 : i32
    %dma_start3A_14 = tpu.memref_slice %arg3[%add3A_5, %dma_start3A_13] : memref<6400x125xi32, #tpu.memory_space<hbm>> -> memref<2x125xi32, #tpu.memory_space<hbm>>
    tpu.enqueue_dma source(%dma_start3A_14 : memref<2x125xi32, #tpu.memory_space<hbm>>) target(%dma_start3A_12 : memref<2x125xi32, #tpu.memory_space<vmem>>) target_semaphore(%arg9 : memref<!tpu.dma_semaphore, #tpu.memory_space<semaphore_mem>>)
    %add3A_15 = arith.constant 0 : i32
    %add3A_16 = arith.addi %mul3A_0, %add3A_15 : i32
    %dma_start3A_17 = arith.constant 0 : i32
    %dma_start3A_18 = arith.constant 0 : i32
    %dma_start3A_19 = arith.constant 0 : i32
    %dma_start3A_20 = tpu.memref_slice %arg7[%dma_start3A_17, %dma_start3A_18, %dma_start3A_19] : memref<4x125x32xf32, #tpu.memory_space<vmem>> -> memref<2x125x32xf32, #tpu.memory_space<vmem>>
    %dma_start3A_21 = arith.constant 0 : i32
    %dma_start3A_22 = tpu.memref_slice %arg2[%add3A_16, %dma_start3A_21, %mul3A_2] : memref<6400x125x64xf32, #tpu.memory_space<hbm>> -> memref<2x125x32xf32, #tpu.memory_space<hbm>>
    %dma_start3A_23 = arith.constant 0 : i32
    %dma_start3A_24 = arith.constant 0 : i32
    %dma_start3A_25 = arith.constant 0 : i32
    %dma_start3A_26 = tpu.memref_slice %arg7[%dma_start3A_23, %dma_start3A_24, %dma_start3A_25] : memref<4x125x32xf32, #tpu.memory_space<vmem>> -> memref<2x125x32xf32, #tpu.memory_space<vmem>>
    %dma_start3A_27 = arith.constant 0 : i32
    %dma_start3A_28 = tpu.memref_slice %arg2[%add3A_16, %dma_start3A_27, %mul3A_2] : memref<6400x125x64xf32, #tpu.memory_space<hbm>> -> memref<2x125x32xf32, #tpu.memory_space<hbm>>
    tpu.enqueue_dma source(%dma_start3A_28 : memref<2x125x32xf32, #tpu.memory_space<hbm>>) target(%dma_start3A_26 : memref<2x125x32xf32, #tpu.memory_space<vmem>>) target_semaphore(%arg11 : memref<!tpu.dma_semaphore, #tpu.memory_space<semaphore_mem>>)
    %add3A_29 = arith.constant 2 : i32
    %add3A_30 = arith.addi %mul3A_0, %add3A_29 : i32
    %dma_start3A_31 = arith.constant 2 : i32
    %dma_start3A_32 = arith.constant 0 : i32
    %dma_start3A_33 = tpu.memref_slice %arg6[%dma_start3A_31, %dma_start3A_32] : memref<4x125xi32, #tpu.memory_space<vmem>> -> memref<2x125xi32, #tpu.memory_space<vmem>>
    %dma_start3A_34 = arith.constant 0 : i32
    %dma_start3A_35 = tpu.memref_slice %arg3[%add3A_30, %dma_start3A_34] : memref<6400x125xi32, #tpu.memory_space<hbm>> -> memref<2x125xi32, #tpu.memory_space<hbm>>
    %dma_start3A_36 = arith.constant 2 : i32
    %dma_start3A_37 = arith.constant 0 : i32
    %dma_start3A_38 = tpu.memref_slice %arg6[%dma_start3A_36, %dma_start3A_37] : memref<4x125xi32, #tpu.memory_space<vmem>> -> memref<2x125xi32, #tpu.memory_space<vmem>>
    %dma_start3A_39 = arith.constant 0 : i32
    %dma_start3A_40 = tpu.memref_slice %arg3[%add3A_30, %dma_start3A_39] : memref<6400x125xi32, #tpu.memory_space<hbm>> -> memref<2x125xi32, #tpu.memory_space<hbm>>
    tpu.enqueue_dma source(%dma_start3A_40 : memref<2x125xi32, #tpu.memory_space<hbm>>) target(%dma_start3A_38 : memref<2x125xi32, #tpu.memory_space<vmem>>) target_semaphore(%arg10 : memref<!tpu.dma_semaphore, #tpu.memory_space<semaphore_mem>>)
    %add3A_41 = arith.constant 2 : i32
    %add3A_42 = arith.addi %mul3A_0, %add3A_41 : i32
    %dma_start3A_43 = arith.constant 2 : i32
    %dma_start3A_44 = arith.constant 0 : i32
    %dma_start3A_45 = arith.constant 0 : i32
    %dma_start3A_46 = tpu.memref_slice %arg7[%dma_start3A_43, %dma_start3A_44, %dma_start3A_45] : memref<4x125x32xf32, #tpu.memory_space<vmem>> -> memref<2x125x32xf32, #tpu.memory_space<vmem>>
    %dma_start3A_47 = arith.constant 0 : i32
    %dma_start3A_48 = tpu.memref_slice %arg2[%add3A_42, %dma_start3A_47, %mul3A_2] : memref<6400x125x64xf32, #tpu.memory_space<hbm>> -> memref<2x125x32xf32, #tpu.memory_space<hbm>>
    %dma_start3A_49 = arith.constant 2 : i32
    %dma_start3A_50 = arith.constant 0 : i32
    %dma_start3A_51 = arith.constant 0 : i32
    %dma_start3A_52 = tpu.memref_slice %arg7[%dma_start3A_49, %dma_start3A_50, %dma_start3A_51] : memref<4x125x32xf32, #tpu.memory_space<vmem>> -> memref<2x125x32xf32, #tpu.memory_space<vmem>>
    %dma_start3A_53 = arith.constant 0 : i32
    %dma_start3A_54 = tpu.memref_slice %arg2[%add3A_42, %dma_start3A_53, %mul3A_2] : memref<6400x125x64xf32, #tpu.memory_space<hbm>> -> memref<2x125x32xf32, #tpu.memory_space<hbm>>
    tpu.enqueue_dma source(%dma_start3A_54 : memref<2x125x32xf32, #tpu.memory_space<hbm>>) target(%dma_start3A_52 : memref<2x125x32xf32, #tpu.memory_space<vmem>>) target_semaphore(%arg12 : memref<!tpu.dma_semaphore, #tpu.memory_space<semaphore_mem>>)
    %scan3A = arith.constant 0 : i32
    %scan3A_55 = arith.constant 0 : i32
    %scan3A_56 = arith.constant 100 : i32
    %scan3A_57 = arith.addi %scan3A_55, %scan3A_56 : i32
    %scan3A_58 = arith.constant 1 : i32
    scf.for %scan3A_118 = %scan3A_55 to %scan3A_57 step %scan3A_58  : i32 {
      %mul3A_119 = arith.constant 2 : i32
      %mul3A_120 = arith.muli %mul3A_119, %scan3A_118 : i32
      %add3A_121 = arith.constant 0 : i32
      %add3A_122 = arith.addi %mul3A_120, %add3A_121 : i32
      %mul3A_123 = arith.constant 2 : i32
      %mul3A_124 = arith.muli %add3A_122, %mul3A_123 : i32
      %add3A_125 = arith.addi %mul3A_0, %mul3A_124 : i32
      %dma_wait3A_126 = arith.constant 0 : i32
      %dma_wait3A_127 = arith.constant 0 : i32
      %dma_wait3A_128 = tpu.memref_slice %arg6[%dma_wait3A_126, %dma_wait3A_127] : memref<4x125xi32, #tpu.memory_space<vmem>> -> memref<2x125xi32, #tpu.memory_space<vmem>>
      %dma_wait3A_129 = arith.constant 0 : i32
      %dma_wait3A_130 = tpu.memref_slice %arg3[%add3A_125, %dma_wait3A_129] : memref<6400x125xi32, #tpu.memory_space<hbm>> -> memref<2x125xi32, #tpu.memory_space<hbm>>
      %dma_wait3A_131 = arith.constant 0 : i32
      %dma_wait3A_132 = arith.constant 0 : i32
      %dma_wait3A_133 = tpu.memref_slice %arg6[%dma_wait3A_131, %dma_wait3A_132] : memref<4x125xi32, #tpu.memory_space<vmem>> -> memref<2x125xi32, #tpu.memory_space<vmem>>
      %dma_wait3A_134 = arith.constant 0 : i32
      %dma_wait3A_135 = tpu.memref_slice %arg3[%add3A_125, %dma_wait3A_134] : memref<6400x125xi32, #tpu.memory_space<hbm>> -> memref<2x125xi32, #tpu.memory_space<hbm>>
      tpu.wait_dma2 semaphore(%arg9 : memref<!tpu.dma_semaphore, #tpu.memory_space<semaphore_mem>>) src(%dma_wait3A_135 : memref<2x125xi32, #tpu.memory_space<hbm>>) dst(%dma_wait3A_133 : memref<2x125xi32, #tpu.memory_space<vmem>>)
      %mul3A_136 = arith.constant 2 : i32
      %mul3A_137 = arith.muli %add3A_122, %mul3A_136 : i32
      %add3A_138 = arith.addi %mul3A_0, %mul3A_137 : i32
      %dma_wait3A_139 = arith.constant 0 : i32
      %dma_wait3A_140 = arith.constant 0 : i32
      %dma_wait3A_141 = arith.constant 0 : i32
      %dma_wait3A_142 = tpu.memref_slice %arg7[%dma_wait3A_139, %dma_wait3A_140, %dma_wait3A_141] : memref<4x125x32xf32, #tpu.memory_space<vmem>> -> memref<2x125x32xf32, #tpu.memory_space<vmem>>
      %dma_wait3A_143 = arith.constant 0 : i32
      %dma_wait3A_144 = tpu.memref_slice %arg2[%add3A_138, %dma_wait3A_143, %mul3A_2] : memref<6400x125x64xf32, #tpu.memory_space<hbm>> -> memref<2x125x32xf32, #tpu.memory_space<hbm>>
      %dma_wait3A_145 = arith.constant 0 : i32
      %dma_wait3A_146 = arith.constant 0 : i32
      %dma_wait3A_147 = arith.constant 0 : i32
      %dma_wait3A_148 = tpu.memref_slice %arg7[%dma_wait3A_145, %dma_wait3A_146, %dma_wait3A_147] : memref<4x125x32xf32, #tpu.memory_space<vmem>> -> memref<2x125x32xf32, #tpu.memory_space<vmem>>
      %dma_wait3A_149 = arith.constant 0 : i32
      %dma_wait3A_150 = tpu.memref_slice %arg2[%add3A_138, %dma_wait3A_149, %mul3A_2] : memref<6400x125x64xf32, #tpu.memory_space<hbm>> -> memref<2x125x32xf32, #tpu.memory_space<hbm>>
      tpu.wait_dma2 semaphore(%arg11 : memref<!tpu.dma_semaphore, #tpu.memory_space<semaphore_mem>>) src(%dma_wait3A_150 : memref<2x125x32xf32, #tpu.memory_space<hbm>>) dst(%dma_wait3A_148 : memref<2x125x32xf32, #tpu.memory_space<vmem>>)
      %run_scoped3A = arith.constant 0 : i32
      %run_scoped3A_151 = arith.constant 0 : i32
      "tpu.region"() ({
        %run_scoped3A_201 = tpu.sem_alloc : memref<!tpu.dma_semaphore, #tpu.memory_space<semaphore_mem>>
        %dma_start3A_202 = arith.constant 0 : i32
        %dma_start3A_203 = arith.constant 0 : i32
        %dma_start3A_204 = tpu.memref_slice %arg7[%run_scoped3A, %dma_start3A_202, %dma_start3A_203] : memref<4x125x32xf32, #tpu.memory_space<vmem>> -> memref<1x125x32xf32, #tpu.memory_space<vmem>>
        %dma_start3A_205 = tpu.memref_squeeze %dma_start3A_204 : memref<1x125x32xf32, #tpu.memory_space<vmem>> -> memref<125x32xf32, #tpu.memory_space<vmem>>
        %dma_start3A_206 = arith.constant 0 : i32
        %dma_start3A_207 = tpu.memref_slice %arg6[%run_scoped3A_151, %dma_start3A_206] : memref<4x125xi32, #tpu.memory_space<vmem>> -> memref<1x125xi32, #tpu.memory_space<vmem>>
        %dma_start3A_208 = tpu.memref_squeeze %dma_start3A_207 : memref<1x125xi32, #tpu.memory_space<vmem>> -> memref<125xi32, #tpu.memory_space<vmem>>
        %dma_start3A_209 = arith.constant 0 : i32
        %dma_start3A_210 = arith.constant 0 : i32
        %dma_start3A_211 = tpu.memref_slice %arg8[%dma_start3A_209, %dma_start3A_210] : memref<50000x32xf32, #tpu.memory_space<vmem_shared>> -> memref<50000x32xf32, #tpu.memory_space<vmem_shared>>
        tpu.enqueue_indirect_dma source(%dma_start3A_205 : memref<125x32xf32, #tpu.memory_space<vmem>>) target(%dma_start3A_211 : memref<50000x32xf32, #tpu.memory_space<vmem_shared>>) offsets(%dma_start3A_208 : memref<125xi32, #tpu.memory_space<vmem>>) semaphore(%run_scoped3A_201 : memref<!tpu.dma_semaphore, #tpu.memory_space<semaphore_mem>>) {add = true}
        %dma_wait3A_212 = arith.constant 0 : i32
        %dma_wait3A_213 = arith.constant 0 : i32
        %dma_wait3A_214 = tpu.memref_slice %arg7[%run_scoped3A, %dma_wait3A_212, %dma_wait3A_213] : memref<4x125x32xf32, #tpu.memory_space<vmem>> -> memref<1x125x32xf32, #tpu.memory_space<vmem>>
        %dma_wait3A_215 = tpu.memref_squeeze %dma_wait3A_214 : memref<1x125x32xf32, #tpu.memory_space<vmem>> -> memref<125x32xf32, #tpu.memory_space<vmem>>
        %dma_wait3A_216 = arith.constant 0 : i32
        %dma_wait3A_217 = tpu.memref_slice %arg6[%run_scoped3A_151, %dma_wait3A_216] : memref<4x125xi32, #tpu.memory_space<vmem>> -> memref<1x125xi32, #tpu.memory_space<vmem>>
        %dma_wait3A_218 = tpu.memref_squeeze %dma_wait3A_217 : memref<1x125xi32, #tpu.memory_space<vmem>> -> memref<125xi32, #tpu.memory_space<vmem>>
        %dma_wait3A_219 = arith.constant 0 : i32
        %dma_wait3A_220 = arith.constant 0 : i32
        %dma_wait3A_221 = tpu.memref_slice %arg8[%dma_wait3A_219, %dma_wait3A_220] : memref<50000x32xf32, #tpu.memory_space<vmem_shared>> -> memref<50000x32xf32, #tpu.memory_space<vmem_shared>>
        tpu.wait_indirect_dma semaphore(%run_scoped3A_201 : memref<!tpu.dma_semaphore, #tpu.memory_space<semaphore_mem>>) src(%dma_wait3A_215 : memref<125x32xf32, #tpu.memory_space<vmem>>) dst(%dma_wait3A_221 : memref<50000x32xf32, #tpu.memory_space<vmem_shared>>)
        tpu.yield
      }) : () -> ()
      %run_scoped3A_152 = arith.constant 1 : i32
      %run_scoped3A_153 = arith.constant 1 : i32
      "tpu.region"() ({
        %run_scoped3A_201 = tpu.sem_alloc : memref<!tpu.dma_semaphore, #tpu.memory_space<semaphore_mem>>
        %dma_start3A_202 = arith.constant 0 : i32
        %dma_start3A_203 = arith.constant 0 : i32
        %dma_start3A_204 = tpu.memref_slice %arg7[%run_scoped3A_152, %dma_start3A_202, %dma_start3A_203] : memref<4x125x32xf32, #tpu.memory_space<vmem>> -> memref<1x125x32xf32, #tpu.memory_space<vmem>>
        %dma_start3A_205 = tpu.memref_squeeze %dma_start3A_204 : memref<1x125x32xf32, #tpu.memory_space<vmem>> -> memref<125x32xf32, #tpu.memory_space<vmem>>
        %dma_start3A_206 = arith.constant 0 : i32
        %dma_start3A_207 = tpu.memref_slice %arg6[%run_scoped3A_153, %dma_start3A_206] : memref<4x125xi32, #tpu.memory_space<vmem>> -> memref<1x125xi32, #tpu.memory_space<vmem>>
        %dma_start3A_208 = tpu.memref_squeeze %dma_start3A_207 : memref<1x125xi32, #tpu.memory_space<vmem>> -> memref<125xi32, #tpu.memory_space<vmem>>
        %dma_start3A_209 = arith.constant 0 : i32
        %dma_start3A_210 = arith.constant 0 : i32
        %dma_start3A_211 = tpu.memref_slice %arg8[%dma_start3A_209, %dma_start3A_210] : memref<50000x32xf32, #tpu.memory_space<vmem_shared>> -> memref<50000x32xf32, #tpu.memory_space<vmem_shared>>
        tpu.enqueue_indirect_dma source(%dma_start3A_205 : memref<125x32xf32, #tpu.memory_space<vmem>>) target(%dma_start3A_211 : memref<50000x32xf32, #tpu.memory_space<vmem_shared>>) offsets(%dma_start3A_208 : memref<125xi32, #tpu.memory_space<vmem>>) semaphore(%run_scoped3A_201 : memref<!tpu.dma_semaphore, #tpu.memory_space<semaphore_mem>>) {add = true}
        %dma_wait3A_212 = arith.constant 0 : i32
        %dma_wait3A_213 = arith.constant 0 : i32
        %dma_wait3A_214 = tpu.memref_slice %arg7[%run_scoped3A_152, %dma_wait3A_212, %dma_wait3A_213] : memref<4x125x32xf32, #tpu.memory_space<vmem>> -> memref<1x125x32xf32, #tpu.memory_space<vmem>>
        %dma_wait3A_215 = tpu.memref_squeeze %dma_wait3A_214 : memref<1x125x32xf32, #tpu.memory_space<vmem>> -> memref<125x32xf32, #tpu.memory_space<vmem>>
        %dma_wait3A_216 = arith.constant 0 : i32
        %dma_wait3A_217 = tpu.memref_slice %arg6[%run_scoped3A_153, %dma_wait3A_216] : memref<4x125xi32, #tpu.memory_space<vmem>> -> memref<1x125xi32, #tpu.memory_space<vmem>>
        %dma_wait3A_218 = tpu.memref_squeeze %dma_wait3A_217 : memref<1x125xi32, #tpu.memory_space<vmem>> -> memref<125xi32, #tpu.memory_space<vmem>>
        %dma_wait3A_219 = arith.constant 0 : i32
        %dma_wait3A_220 = arith.constant 0 : i32
        %dma_wait3A_221 = tpu.memref_slice %arg8[%dma_wait3A_219, %dma_wait3A_220] : memref<50000x32xf32, #tpu.memory_space<vmem_shared>> -> memref<50000x32xf32, #tpu.memory_space<vmem_shared>>
        tpu.wait_indirect_dma semaphore(%run_scoped3A_201 : memref<!tpu.dma_semaphore, #tpu.memory_space<semaphore_mem>>) src(%dma_wait3A_215 : memref<125x32xf32, #tpu.memory_space<vmem>>) dst(%dma_wait3A_221 : memref<50000x32xf32, #tpu.memory_space<vmem_shared>>)
        tpu.yield
      }) : () -> ()
      %add3A_154 = arith.constant 2 : i32
      %add3A_155 = arith.addi %add3A_122, %add3A_154 : i32
      %lt3A = arith.constant 200 : i32
      %lt3A_156 = arith.cmpi slt, %add3A_155, %lt3A : i32
      %convert_element_type3A = arith.extui %lt3A_156 : i1 to i32
      %cond3A = arith.constant 0 : i32
      %cond3A_157 = arith.cmpi ne, %convert_element_type3A, %cond3A : i32
      scf.if %cond3A_157 {
        %add3A_201 = arith.constant 2 : i32
        %add3A_202 = arith.addi %add3A_122, %add3A_201 : i32
        %mul3A_203 = arith.constant 2 : i32
        %mul3A_204 = arith.muli %add3A_202, %mul3A_203 : i32
        %add3A_205 = arith.addi %mul3A_0, %mul3A_204 : i32
        %dma_start3A_206 = arith.constant 0 : i32
        %dma_start3A_207 = arith.constant 0 : i32
        %dma_start3A_208 = tpu.memref_slice %arg6[%dma_start3A_206, %dma_start3A_207] : memref<4x125xi32, #tpu.memory_space<vmem>> -> memref<2x125xi32, #tpu.memory_space<vmem>>
        %dma_start3A_209 = arith.constant 0 : i32
        %dma_start3A_210 = tpu.memref_slice %arg3[%add3A_205, %dma_start3A_209] : memref<6400x125xi32, #tpu.memory_space<hbm>> -> memref<2x125xi32, #tpu.memory_space<hbm>>
        %dma_start3A_211 = arith.constant 0 : i32
        %dma_start3A_212 = arith.constant 0 : i32
        %dma_start3A_213 = tpu.memref_slice %arg6[%dma_start3A_211, %dma_start3A_212] : memref<4x125xi32, #tpu.memory_space<vmem>> -> memref<2x125xi32, #tpu.memory_space<vmem>>
        %dma_start3A_214 = arith.constant 0 : i32
        %dma_start3A_215 = tpu.memref_slice %arg3[%add3A_205, %dma_start3A_214] : memref<6400x125xi32, #tpu.memory_space<hbm>> -> memref<2x125xi32, #tpu.memory_space<hbm>>
        tpu.enqueue_dma source(%dma_start3A_215 : memref<2x125xi32, #tpu.memory_space<hbm>>) target(%dma_start3A_213 : memref<2x125xi32, #tpu.memory_space<vmem>>) target_semaphore(%arg9 : memref<!tpu.dma_semaphore, #tpu.memory_space<semaphore_mem>>)
        %add3A_216 = arith.constant 2 : i32
        %add3A_217 = arith.addi %add3A_122, %add3A_216 : i32
        %mul3A_218 = arith.constant 2 : i32
        %mul3A_219 = arith.muli %add3A_217, %mul3A_218 : i32
        %add3A_220 = arith.addi %mul3A_0, %mul3A_219 : i32
        %dma_start3A_221 = arith.constant 0 : i32
        %dma_start3A_222 = arith.constant 0 : i32
        %dma_start3A_223 = arith.constant 0 : i32
        %dma_start3A_224 = tpu.memref_slice %arg7[%dma_start3A_221, %dma_start3A_222, %dma_start3A_223] : memref<4x125x32xf32, #tpu.memory_space<vmem>> -> memref<2x125x32xf32, #tpu.memory_space<vmem>>
        %dma_start3A_225 = arith.constant 0 : i32
        %dma_start3A_226 = tpu.memref_slice %arg2[%add3A_220, %dma_start3A_225, %mul3A_2] : memref<6400x125x64xf32, #tpu.memory_space<hbm>> -> memref<2x125x32xf32, #tpu.memory_space<hbm>>
        %dma_start3A_227 = arith.constant 0 : i32
        %dma_start3A_228 = arith.constant 0 : i32
        %dma_start3A_229 = arith.constant 0 : i32
        %dma_start3A_230 = tpu.memref_slice %arg7[%dma_start3A_227, %dma_start3A_228, %dma_start3A_229] : memref<4x125x32xf32, #tpu.memory_space<vmem>> -> memref<2x125x32xf32, #tpu.memory_space<vmem>>
        %dma_start3A_231 = arith.constant 0 : i32
        %dma_start3A_232 = tpu.memref_slice %arg2[%add3A_220, %dma_start3A_231, %mul3A_2] : memref<6400x125x64xf32, #tpu.memory_space<hbm>> -> memref<2x125x32xf32, #tpu.memory_space<hbm>>
        tpu.enqueue_dma source(%dma_start3A_232 : memref<2x125x32xf32, #tpu.memory_space<hbm>>) target(%dma_start3A_230 : memref<2x125x32xf32, #tpu.memory_space<vmem>>) target_semaphore(%arg11 : memref<!tpu.dma_semaphore, #tpu.memory_space<semaphore_mem>>)
      } else {
      }
      %mul3A_158 = arith.constant 2 : i32
      %mul3A_159 = arith.muli %mul3A_158, %scan3A_118 : i32
      %add3A_160 = arith.constant 1 : i32
      %add3A_161 = arith.addi %mul3A_159, %add3A_160 : i32
      %mul3A_162 = arith.constant 2 : i32
      %mul3A_163 = arith.muli %add3A_161, %mul3A_162 : i32
      %add3A_164 = arith.addi %mul3A_0, %mul3A_163 : i32
      %dma_wait3A_165 = arith.constant 2 : i32
      %dma_wait3A_166 = arith.constant 0 : i32
      %dma_wait3A_167 = tpu.memref_slice %arg6[%dma_wait3A_165, %dma_wait3A_166] : memref<4x125xi32, #tpu.memory_space<vmem>> -> memref<2x125xi32, #tpu.memory_space<vmem>>
      %dma_wait3A_168 = arith.constant 0 : i32
      %dma_wait3A_169 = tpu.memref_slice %arg3[%add3A_164, %dma_wait3A_168] : memref<6400x125xi32, #tpu.memory_space<hbm>> -> memref<2x125xi32, #tpu.memory_space<hbm>>
      %dma_wait3A_170 = arith.constant 2 : i32
      %dma_wait3A_171 = arith.constant 0 : i32
      %dma_wait3A_172 = tpu.memref_slice %arg6[%dma_wait3A_170, %dma_wait3A_171] : memref<4x125xi32, #tpu.memory_space<vmem>> -> memref<2x125xi32, #tpu.memory_space<vmem>>
      %dma_wait3A_173 = arith.constant 0 : i32
      %dma_wait3A_174 = tpu.memref_slice %arg3[%add3A_164, %dma_wait3A_173] : memref<6400x125xi32, #tpu.memory_space<hbm>> -> memref<2x125xi32, #tpu.memory_space<hbm>>
      tpu.wait_dma2 semaphore(%arg10 : memref<!tpu.dma_semaphore, #tpu.memory_space<semaphore_mem>>) src(%dma_wait3A_174 : memref<2x125xi32, #tpu.memory_space<hbm>>) dst(%dma_wait3A_172 : memref<2x125xi32, #tpu.memory_space<vmem>>)
      %mul3A_175 = arith.constant 2 : i32
      %mul3A_176 = arith.muli %add3A_161, %mul3A_175 : i32
      %add3A_177 = arith.addi %mul3A_0, %mul3A_176 : i32
      %dma_wait3A_178 = arith.constant 2 : i32
      %dma_wait3A_179 = arith.constant 0 : i32
      %dma_wait3A_180 = arith.constant 0 : i32
      %dma_wait3A_181 = tpu.memref_slice %arg7[%dma_wait3A_178, %dma_wait3A_179, %dma_wait3A_180] : memref<4x125x32xf32, #tpu.memory_space<vmem>> -> memref<2x125x32xf32, #tpu.memory_space<vmem>>
      %dma_wait3A_182 = arith.constant 0 : i32
      %dma_wait3A_183 = tpu.memref_slice %arg2[%add3A_177, %dma_wait3A_182, %mul3A_2] : memref<6400x125x64xf32, #tpu.memory_space<hbm>> -> memref<2x125x32xf32, #tpu.memory_space<hbm>>
      %dma_wait3A_184 = arith.constant 2 : i32
      %dma_wait3A_185 = arith.constant 0 : i32
      %dma_wait3A_186 = arith.constant 0 : i32
      %dma_wait3A_187 = tpu.memref_slice %arg7[%dma_wait3A_184, %dma_wait3A_185, %dma_wait3A_186] : memref<4x125x32xf32, #tpu.memory_space<vmem>> -> memref<2x125x32xf32, #tpu.memory_space<vmem>>
      %dma_wait3A_188 = arith.constant 0 : i32
      %dma_wait3A_189 = tpu.memref_slice %arg2[%add3A_177, %dma_wait3A_188, %mul3A_2] : memref<6400x125x64xf32, #tpu.memory_space<hbm>> -> memref<2x125x32xf32, #tpu.memory_space<hbm>>
      tpu.wait_dma2 semaphore(%arg12 : memref<!tpu.dma_semaphore, #tpu.memory_space<semaphore_mem>>) src(%dma_wait3A_189 : memref<2x125x32xf32, #tpu.memory_space<hbm>>) dst(%dma_wait3A_187 : memref<2x125x32xf32, #tpu.memory_space<vmem>>)
      %run_scoped3A_190 = arith.constant 2 : i32
      %run_scoped3A_191 = arith.constant 2 : i32
      "tpu.region"() ({
        %run_scoped3A_201 = tpu.sem_alloc : memref<!tpu.dma_semaphore, #tpu.memory_space<semaphore_mem>>
        %dma_start3A_202 = arith.constant 0 : i32
        %dma_start3A_203 = arith.constant 0 : i32
        %dma_start3A_204 = tpu.memref_slice %arg7[%run_scoped3A_190, %dma_start3A_202, %dma_start3A_203] : memref<4x125x32xf32, #tpu.memory_space<vmem>> -> memref<1x125x32xf32, #tpu.memory_space<vmem>>
        %dma_start3A_205 = tpu.memref_squeeze %dma_start3A_204 : memref<1x125x32xf32, #tpu.memory_space<vmem>> -> memref<125x32xf32, #tpu.memory_space<vmem>>
        %dma_start3A_206 = arith.constant 0 : i32
        %dma_start3A_207 = tpu.memref_slice %arg6[%run_scoped3A_191, %dma_start3A_206] : memref<4x125xi32, #tpu.memory_space<vmem>> -> memref<1x125xi32, #tpu.memory_space<vmem>>
        %dma_start3A_208 = tpu.memref_squeeze %dma_start3A_207 : memref<1x125xi32, #tpu.memory_space<vmem>> -> memref<125xi32, #tpu.memory_space<vmem>>
        %dma_start3A_209 = arith.constant 0 : i32
        %dma_start3A_210 = arith.constant 0 : i32
        %dma_start3A_211 = tpu.memref_slice %arg8[%dma_start3A_209, %dma_start3A_210] : memref<50000x32xf32, #tpu.memory_space<vmem_shared>> -> memref<50000x32xf32, #tpu.memory_space<vmem_shared>>
        tpu.enqueue_indirect_dma source(%dma_start3A_205 : memref<125x32xf32, #tpu.memory_space<vmem>>) target(%dma_start3A_211 : memref<50000x32xf32, #tpu.memory_space<vmem_shared>>) offsets(%dma_start3A_208 : memref<125xi32, #tpu.memory_space<vmem>>) semaphore(%run_scoped3A_201 : memref<!tpu.dma_semaphore, #tpu.memory_space<semaphore_mem>>) {add = true}
        %dma_wait3A_212 = arith.constant 0 : i32
        %dma_wait3A_213 = arith.constant 0 : i32
        %dma_wait3A_214 = tpu.memref_slice %arg7[%run_scoped3A_190, %dma_wait3A_212, %dma_wait3A_213] : memref<4x125x32xf32, #tpu.memory_space<vmem>> -> memref<1x125x32xf32, #tpu.memory_space<vmem>>
        %dma_wait3A_215 = tpu.memref_squeeze %dma_wait3A_214 : memref<1x125x32xf32, #tpu.memory_space<vmem>> -> memref<125x32xf32, #tpu.memory_space<vmem>>
        %dma_wait3A_216 = arith.constant 0 : i32
        %dma_wait3A_217 = tpu.memref_slice %arg6[%run_scoped3A_191, %dma_wait3A_216] : memref<4x125xi32, #tpu.memory_space<vmem>> -> memref<1x125xi32, #tpu.memory_space<vmem>>
        %dma_wait3A_218 = tpu.memref_squeeze %dma_wait3A_217 : memref<1x125xi32, #tpu.memory_space<vmem>> -> memref<125xi32, #tpu.memory_space<vmem>>
        %dma_wait3A_219 = arith.constant 0 : i32
        %dma_wait3A_220 = arith.constant 0 : i32
        %dma_wait3A_221 = tpu.memref_slice %arg8[%dma_wait3A_219, %dma_wait3A_220] : memref<50000x32xf32, #tpu.memory_space<vmem_shared>> -> memref<50000x32xf32, #tpu.memory_space<vmem_shared>>
        tpu.wait_indirect_dma semaphore(%run_scoped3A_201 : memref<!tpu.dma_semaphore, #tpu.memory_space<semaphore_mem>>) src(%dma_wait3A_215 : memref<125x32xf32, #tpu.memory_space<vmem>>) dst(%dma_wait3A_221 : memref<50000x32xf32, #tpu.memory_space<vmem_shared>>)
        tpu.yield
      }) : () -> ()
      %run_scoped3A_192 = arith.constant 3 : i32
      %run_scoped3A_193 = arith.constant 3 : i32
      "tpu.region"() ({
        %run_scoped3A_201 = tpu.sem_alloc : memref<!tpu.dma_semaphore, #tpu.memory_space<semaphore_mem>>
        %dma_start3A_202 = arith.constant 0 : i32
        %dma_start3A_203 = arith.constant 0 : i32
        %dma_start3A_204 = tpu.memref_slice %arg7[%run_scoped3A_192, %dma_start3A_202, %dma_start3A_203] : memref<4x125x32xf32, #tpu.memory_space<vmem>> -> memref<1x125x32xf32, #tpu.memory_space<vmem>>
        %dma_start3A_205 = tpu.memref_squeeze %dma_start3A_204 : memref<1x125x32xf32, #tpu.memory_space<vmem>> -> memref<125x32xf32, #tpu.memory_space<vmem>>
        %dma_start3A_206 = arith.constant 0 : i32
        %dma_start3A_207 = tpu.memref_slice %arg6[%run_scoped3A_193, %dma_start3A_206] : memref<4x125xi32, #tpu.memory_space<vmem>> -> memref<1x125xi32, #tpu.memory_space<vmem>>
        %dma_start3A_208 = tpu.memref_squeeze %dma_start3A_207 : memref<1x125xi32, #tpu.memory_space<vmem>> -> memref<125xi32, #tpu.memory_space<vmem>>
        %dma_start3A_209 = arith.constant 0 : i32
        %dma_start3A_210 = arith.constant 0 : i32
        %dma_start3A_211 = tpu.memref_slice %arg8[%dma_start3A_209, %dma_start3A_210] : memref<50000x32xf32, #tpu.memory_space<vmem_shared>> -> memref<50000x32xf32, #tpu.memory_space<vmem_shared>>
        tpu.enqueue_indirect_dma source(%dma_start3A_205 : memref<125x32xf32, #tpu.memory_space<vmem>>) target(%dma_start3A_211 : memref<50000x32xf32, #tpu.memory_space<vmem_shared>>) offsets(%dma_start3A_208 : memref<125xi32, #tpu.memory_space<vmem>>) semaphore(%run_scoped3A_201 : memref<!tpu.dma_semaphore, #tpu.memory_space<semaphore_mem>>) {add = true}
        %dma_wait3A_212 = arith.constant 0 : i32
        %dma_wait3A_213 = arith.constant 0 : i32
        %dma_wait3A_214 = tpu.memref_slice %arg7[%run_scoped3A_192, %dma_wait3A_212, %dma_wait3A_213] : memref<4x125x32xf32, #tpu.memory_space<vmem>> -> memref<1x125x32xf32, #tpu.memory_space<vmem>>
        %dma_wait3A_215 = tpu.memref_squeeze %dma_wait3A_214 : memref<1x125x32xf32, #tpu.memory_space<vmem>> -> memref<125x32xf32, #tpu.memory_space<vmem>>
        %dma_wait3A_216 = arith.constant 0 : i32
        %dma_wait3A_217 = tpu.memref_slice %arg6[%run_scoped3A_193, %dma_wait3A_216] : memref<4x125xi32, #tpu.memory_space<vmem>> -> memref<1x125xi32, #tpu.memory_space<vmem>>
        %dma_wait3A_218 = tpu.memref_squeeze %dma_wait3A_217 : memref<1x125xi32, #tpu.memory_space<vmem>> -> memref<125xi32, #tpu.memory_space<vmem>>
        %dma_wait3A_219 = arith.constant 0 : i32
        %dma_wait3A_220 = arith.constant 0 : i32
        %dma_wait3A_221 = tpu.memref_slice %arg8[%dma_wait3A_219, %dma_wait3A_220] : memref<50000x32xf32, #tpu.memory_space<vmem_shared>> -> memref<50000x32xf32, #tpu.memory_space<vmem_shared>>
        tpu.wait_indirect_dma semaphore(%run_scoped3A_201 : memref<!tpu.dma_semaphore, #tpu.memory_space<semaphore_mem>>) src(%dma_wait3A_215 : memref<125x32xf32, #tpu.memory_space<vmem>>) dst(%dma_wait3A_221 : memref<50000x32xf32, #tpu.memory_space<vmem_shared>>)
        tpu.yield
      }) : () -> ()
      %add3A_194 = arith.constant 2 : i32
      %add3A_195 = arith.addi %add3A_161, %add3A_194 : i32
      %lt3A_196 = arith.constant 200 : i32
      %lt3A_197 = arith.cmpi slt, %add3A_195, %lt3A_196 : i32
      %convert_element_type3A_198 = arith.extui %lt3A_197 : i1 to i32
      %cond3A_199 = arith.constant 0 : i32
      %cond3A_200 = arith.cmpi ne, %convert_element_type3A_198, %cond3A_199 : i32
      scf.if %cond3A_200 {
        %add3A_201 = arith.constant 2 : i32
        %add3A_202 = arith.addi %add3A_161, %add3A_201 : i32
        %mul3A_203 = arith.constant 2 : i32
        %mul3A_204 = arith.muli %add3A_202, %mul3A_203 : i32
        %add3A_205 = arith.addi %mul3A_0, %mul3A_204 : i32
        %dma_start3A_206 = arith.constant 2 : i32
        %dma_start3A_207 = arith.constant 0 : i32
        %dma_start3A_208 = tpu.memref_slice %arg6[%dma_start3A_206, %dma_start3A_207] : memref<4x125xi32, #tpu.memory_space<vmem>> -> memref<2x125xi32, #tpu.memory_space<vmem>>
        %dma_start3A_209 = arith.constant 0 : i32
        %dma_start3A_210 = tpu.memref_slice %arg3[%add3A_205, %dma_start3A_209] : memref<6400x125xi32, #tpu.memory_space<hbm>> -> memref<2x125xi32, #tpu.memory_space<hbm>>
        %dma_start3A_211 = arith.constant 2 : i32
        %dma_start3A_212 = arith.constant 0 : i32
        %dma_start3A_213 = tpu.memref_slice %arg6[%dma_start3A_211, %dma_start3A_212] : memref<4x125xi32, #tpu.memory_space<vmem>> -> memref<2x125xi32, #tpu.memory_space<vmem>>
        %dma_start3A_214 = arith.constant 0 : i32
        %dma_start3A_215 = tpu.memref_slice %arg3[%add3A_205, %dma_start3A_214] : memref<6400x125xi32, #tpu.memory_space<hbm>> -> memref<2x125xi32, #tpu.memory_space<hbm>>
        tpu.enqueue_dma source(%dma_start3A_215 : memref<2x125xi32, #tpu.memory_space<hbm>>) target(%dma_start3A_213 : memref<2x125xi32, #tpu.memory_space<vmem>>) target_semaphore(%arg10 : memref<!tpu.dma_semaphore, #tpu.memory_space<semaphore_mem>>)
        %add3A_216 = arith.constant 2 : i32
        %add3A_217 = arith.addi %add3A_161, %add3A_216 : i32
        %mul3A_218 = arith.constant 2 : i32
        %mul3A_219 = arith.muli %add3A_217, %mul3A_218 : i32
        %add3A_220 = arith.addi %mul3A_0, %mul3A_219 : i32
        %dma_start3A_221 = arith.constant 2 : i32
        %dma_start3A_222 = arith.constant 0 : i32
        %dma_start3A_223 = arith.constant 0 : i32
        %dma_start3A_224 = tpu.memref_slice %arg7[%dma_start3A_221, %dma_start3A_222, %dma_start3A_223] : memref<4x125x32xf32, #tpu.memory_space<vmem>> -> memref<2x125x32xf32, #tpu.memory_space<vmem>>
        %dma_start3A_225 = arith.constant 0 : i32
        %dma_start3A_226 = tpu.memref_slice %arg2[%add3A_220, %dma_start3A_225, %mul3A_2] : memref<6400x125x64xf32, #tpu.memory_space<hbm>> -> memref<2x125x32xf32, #tpu.memory_space<hbm>>
        %dma_start3A_227 = arith.constant 2 : i32
        %dma_start3A_228 = arith.constant 0 : i32
        %dma_start3A_229 = arith.constant 0 : i32
        %dma_start3A_230 = tpu.memref_slice %arg7[%dma_start3A_227, %dma_start3A_228, %dma_start3A_229] : memref<4x125x32xf32, #tpu.memory_space<vmem>> -> memref<2x125x32xf32, #tpu.memory_space<vmem>>
        %dma_start3A_231 = arith.constant 0 : i32
        %dma_start3A_232 = tpu.memref_slice %arg2[%add3A_220, %dma_start3A_231, %mul3A_2] : memref<6400x125x64xf32, #tpu.memory_space<hbm>> -> memref<2x125x32xf32, #tpu.memory_space<hbm>>
        tpu.enqueue_dma source(%dma_start3A_232 : memref<2x125x32xf32, #tpu.memory_space<hbm>>) target(%dma_start3A_230 : memref<2x125x32xf32, #tpu.memory_space<vmem>>) target_semaphore(%arg12 : memref<!tpu.dma_semaphore, #tpu.memory_space<semaphore_mem>>)
      } else {
      }
    }
    %scan3A_59 = arith.constant 100 : i32
    %barrier3A_60 = arith.constant 0 : index
    tpu.barrier barrier_id(%barrier3A_60)
    %add3A_61 = arith.constant 0 : i32
    %add3A_62 = arith.addi %mul3A_0, %add3A_61 : i32
    %dma_start3A_63 = arith.constant 0 : i32
    %dma_start3A_64 = arith.constant 0 : i32
    %dma_start3A_65 = tpu.memref_slice %arg6[%dma_start3A_63, %dma_start3A_64] : memref<4x125xi32, #tpu.memory_space<vmem>> -> memref<2x125xi32, #tpu.memory_space<vmem>>
    %dma_start3A_66 = arith.constant 0 : i32
    %dma_start3A_67 = tpu.memref_slice %arg3[%add3A_62, %dma_start3A_66] : memref<6400x125xi32, #tpu.memory_space<hbm>> -> memref<2x125xi32, #tpu.memory_space<hbm>>
    %dma_start3A_68 = arith.constant 0 : i32
    %dma_start3A_69 = arith.constant 0 : i32
    %dma_start3A_70 = tpu.memref_slice %arg6[%dma_start3A_68, %dma_start3A_69] : memref<4x125xi32, #tpu.memory_space<vmem>> -> memref<2x125xi32, #tpu.memory_space<vmem>>
    %dma_start3A_71 = arith.constant 0 : i32
    %dma_start3A_72 = tpu.memref_slice %arg3[%add3A_62, %dma_start3A_71] : memref<6400x125xi32, #tpu.memory_space<hbm>> -> memref<2x125xi32, #tpu.memory_space<hbm>>
    tpu.enqueue_dma source(%dma_start3A_72 : memref<2x125xi32, #tpu.memory_space<hbm>>) target(%dma_start3A_70 : memref<2x125xi32, #tpu.memory_space<vmem>>) target_semaphore(%arg9 : memref<!tpu.dma_semaphore, #tpu.memory_space<semaphore_mem>>)
    %add3A_73 = arith.constant 2 : i32
    %add3A_74 = arith.addi %mul3A_0, %add3A_73 : i32
    %dma_start3A_75 = arith.constant 2 : i32
    %dma_start3A_76 = arith.constant 0 : i32
    %dma_start3A_77 = tpu.memref_slice %arg6[%dma_start3A_75, %dma_start3A_76] : memref<4x125xi32, #tpu.memory_space<vmem>> -> memref<2x125xi32, #tpu.memory_space<vmem>>
    %dma_start3A_78 = arith.constant 0 : i32
    %dma_start3A_79 = tpu.memref_slice %arg3[%add3A_74, %dma_start3A_78] : memref<6400x125xi32, #tpu.memory_space<hbm>> -> memref<2x125xi32, #tpu.memory_space<hbm>>
    %dma_start3A_80 = arith.constant 2 : i32
    %dma_start3A_81 = arith.constant 0 : i32
    %dma_start3A_82 = tpu.memref_slice %arg6[%dma_start3A_80, %dma_start3A_81] : memref<4x125xi32, #tpu.memory_space<vmem>> -> memref<2x125xi32, #tpu.memory_space<vmem>>
    %dma_start3A_83 = arith.constant 0 : i32
    %dma_start3A_84 = tpu.memref_slice %arg3[%add3A_74, %dma_start3A_83] : memref<6400x125xi32, #tpu.memory_space<hbm>> -> memref<2x125xi32, #tpu.memory_space<hbm>>
    tpu.enqueue_dma source(%dma_start3A_84 : memref<2x125xi32, #tpu.memory_space<hbm>>) target(%dma_start3A_82 : memref<2x125xi32, #tpu.memory_space<vmem>>) target_semaphore(%arg10 : memref<!tpu.dma_semaphore, #tpu.memory_space<semaphore_mem>>)
    %scan3A_85 = arith.constant 0 : i32
    %scan3A_86 = arith.constant 0 : i32
    %scan3A_87 = arith.constant 100 : i32
    %scan3A_88 = arith.addi %scan3A_86, %scan3A_87 : i32
    %scan3A_89 = arith.constant 1 : i32
    scf.for %scan3A_118 = %scan3A_86 to %scan3A_88 step %scan3A_89  : i32 {
      %mul3A_119 = arith.constant 2 : i32
      %mul3A_120 = arith.muli %mul3A_119, %scan3A_118 : i32
      %add3A_121 = arith.constant 0 : i32
      %add3A_122 = arith.addi %mul3A_120, %add3A_121 : i32
      %mul3A_123 = arith.constant 2 : i32
      %mul3A_124 = arith.muli %add3A_122, %mul3A_123 : i32
      %add3A_125 = arith.addi %mul3A_0, %mul3A_124 : i32
      %dma_wait3A_126 = arith.constant 0 : i32
      %dma_wait3A_127 = arith.constant 0 : i32
      %dma_wait3A_128 = tpu.memref_slice %arg6[%dma_wait3A_126, %dma_wait3A_127] : memref<4x125xi32, #tpu.memory_space<vmem>> -> memref<2x125xi32, #tpu.memory_space<vmem>>
      %dma_wait3A_129 = arith.constant 0 : i32
      %dma_wait3A_130 = tpu.memref_slice %arg3[%add3A_125, %dma_wait3A_129] : memref<6400x125xi32, #tpu.memory_space<hbm>> -> memref<2x125xi32, #tpu.memory_space<hbm>>
      %dma_wait3A_131 = arith.constant 0 : i32
      %dma_wait3A_132 = arith.constant 0 : i32
      %dma_wait3A_133 = tpu.memref_slice %arg6[%dma_wait3A_131, %dma_wait3A_132] : memref<4x125xi32, #tpu.memory_space<vmem>> -> memref<2x125xi32, #tpu.memory_space<vmem>>
      %dma_wait3A_134 = arith.constant 0 : i32
      %dma_wait3A_135 = tpu.memref_slice %arg3[%add3A_125, %dma_wait3A_134] : memref<6400x125xi32, #tpu.memory_space<hbm>> -> memref<2x125xi32, #tpu.memory_space<hbm>>
      tpu.wait_dma2 semaphore(%arg9 : memref<!tpu.dma_semaphore, #tpu.memory_space<semaphore_mem>>) src(%dma_wait3A_135 : memref<2x125xi32, #tpu.memory_space<hbm>>) dst(%dma_wait3A_133 : memref<2x125xi32, #tpu.memory_space<vmem>>)
      %ge3A = arith.constant 2 : i32
      %ge3A_136 = arith.cmpi sge, %add3A_122, %ge3A : i32
      %convert_element_type3A = arith.extui %ge3A_136 : i1 to i32
      %cond3A = arith.constant 0 : i32
      %cond3A_137 = arith.cmpi ne, %convert_element_type3A, %cond3A : i32
      scf.if %cond3A_137 {
        %sub3A = arith.constant 2 : i32
        %sub3A_210 = arith.subi %add3A_122, %sub3A : i32
        %mul3A_211 = arith.constant 2 : i32
        %mul3A_212 = arith.muli %sub3A_210, %mul3A_211 : i32
        %add3A_213 = arith.addi %mul3A_0, %mul3A_212 : i32
        %dma_wait3A_214 = arith.constant 0 : i32
        %dma_wait3A_215 = arith.constant 0 : i32
        %dma_wait3A_216 = arith.constant 0 : i32
        %dma_wait3A_217 = tpu.memref_slice %arg7[%dma_wait3A_214, %dma_wait3A_215, %dma_wait3A_216] : memref<4x125x32xf32, #tpu.memory_space<vmem>> -> memref<2x125x32xf32, #tpu.memory_space<vmem>>
        %dma_wait3A_218 = arith.constant 0 : i32
        %dma_wait3A_219 = tpu.memref_slice %arg5[%add3A_213, %dma_wait3A_218, %mul3A_2] : memref<6400x125x64xf32, #tpu.memory_space<hbm>> -> memref<2x125x32xf32, #tpu.memory_space<hbm>>
        %dma_wait3A_220 = arith.constant 0 : i32
        %dma_wait3A_221 = tpu.memref_slice %arg5[%add3A_213, %dma_wait3A_220, %mul3A_2] : memref<6400x125x64xf32, #tpu.memory_space<hbm>> -> memref<2x125x32xf32, #tpu.memory_space<hbm>>
        %dma_wait3A_222 = arith.constant 0 : i32
        %dma_wait3A_223 = arith.constant 0 : i32
        %dma_wait3A_224 = arith.constant 0 : i32
        %dma_wait3A_225 = tpu.memref_slice %arg7[%dma_wait3A_222, %dma_wait3A_223, %dma_wait3A_224] : memref<4x125x32xf32, #tpu.memory_space<vmem>> -> memref<2x125x32xf32, #tpu.memory_space<vmem>>
        tpu.wait_dma2 semaphore(%arg13 : memref<!tpu.dma_semaphore, #tpu.memory_space<semaphore_mem>>) src(%dma_wait3A_225 : memref<2x125x32xf32, #tpu.memory_space<vmem>>) dst(%dma_wait3A_221 : memref<2x125x32xf32, #tpu.memory_space<hbm>>)
      } else {
      }
      %run_scoped3A = arith.constant 0 : i32
      %run_scoped3A_138 = arith.constant 0 : i32
      "tpu.region"() ({
        %run_scoped3A_210 = tpu.sem_alloc : memref<!tpu.dma_semaphore, #tpu.memory_space<semaphore_mem>>
        %dma_start3A_211 = arith.constant 0 : i32
        %dma_start3A_212 = arith.constant 0 : i32
        %dma_start3A_213 = tpu.memref_slice %arg7[%run_scoped3A_138, %dma_start3A_211, %dma_start3A_212] : memref<4x125x32xf32, #tpu.memory_space<vmem>> -> memref<1x125x32xf32, #tpu.memory_space<vmem>>
        %dma_start3A_214 = tpu.memref_squeeze %dma_start3A_213 : memref<1x125x32xf32, #tpu.memory_space<vmem>> -> memref<125x32xf32, #tpu.memory_space<vmem>>
        %dma_start3A_215 = arith.constant 0 : i32
        %dma_start3A_216 = tpu.memref_slice %arg6[%run_scoped3A, %dma_start3A_215] : memref<4x125xi32, #tpu.memory_space<vmem>> -> memref<1x125xi32, #tpu.memory_space<vmem>>
        %dma_start3A_217 = tpu.memref_squeeze %dma_start3A_216 : memref<1x125xi32, #tpu.memory_space<vmem>> -> memref<125xi32, #tpu.memory_space<vmem>>
        %dma_start3A_218 = arith.constant 0 : i32
        %dma_start3A_219 = arith.constant 0 : i32
        %dma_start3A_220 = tpu.memref_slice %arg8[%dma_start3A_218, %dma_start3A_219] : memref<50000x32xf32, #tpu.memory_space<vmem_shared>> -> memref<50000x32xf32, #tpu.memory_space<vmem_shared>>
        tpu.enqueue_indirect_dma source(%dma_start3A_220 : memref<50000x32xf32, #tpu.memory_space<vmem_shared>>) target(%dma_start3A_214 : memref<125x32xf32, #tpu.memory_space<vmem>>) offsets(%dma_start3A_217 : memref<125xi32, #tpu.memory_space<vmem>>) semaphore(%run_scoped3A_210 : memref<!tpu.dma_semaphore, #tpu.memory_space<semaphore_mem>>)
        %dma_wait3A_221 = arith.constant 0 : i32
        %dma_wait3A_222 = arith.constant 0 : i32
        %dma_wait3A_223 = tpu.memref_slice %arg7[%run_scoped3A_138, %dma_wait3A_221, %dma_wait3A_222] : memref<4x125x32xf32, #tpu.memory_space<vmem>> -> memref<1x125x32xf32, #tpu.memory_space<vmem>>
        %dma_wait3A_224 = tpu.memref_squeeze %dma_wait3A_223 : memref<1x125x32xf32, #tpu.memory_space<vmem>> -> memref<125x32xf32, #tpu.memory_space<vmem>>
        %dma_wait3A_225 = arith.constant 0 : i32
        %dma_wait3A_226 = tpu.memref_slice %arg6[%run_scoped3A, %dma_wait3A_225] : memref<4x125xi32, #tpu.memory_space<vmem>> -> memref<1x125xi32, #tpu.memory_space<vmem>>
        %dma_wait3A_227 = tpu.memref_squeeze %dma_wait3A_226 : memref<1x125xi32, #tpu.memory_space<vmem>> -> memref<125xi32, #tpu.memory_space<vmem>>
        %dma_wait3A_228 = arith.constant 0 : i32
        %dma_wait3A_229 = arith.constant 0 : i32
        %dma_wait3A_230 = tpu.memref_slice %arg8[%dma_wait3A_228, %dma_wait3A_229] : memref<50000x32xf32, #tpu.memory_space<vmem_shared>> -> memref<50000x32xf32, #tpu.memory_space<vmem_shared>>
        tpu.wait_indirect_dma semaphore(%run_scoped3A_210 : memref<!tpu.dma_semaphore, #tpu.memory_space<semaphore_mem>>) src(%dma_wait3A_230 : memref<50000x32xf32, #tpu.memory_space<vmem_shared>>) dst(%dma_wait3A_224 : memref<125x32xf32, #tpu.memory_space<vmem>>)
        tpu.yield
      }) : () -> ()
      %run_scoped3A_139 = arith.constant 1 : i32
      %run_scoped3A_140 = arith.constant 1 : i32
      "tpu.region"() ({
        %run_scoped3A_210 = tpu.sem_alloc : memref<!tpu.dma_semaphore, #tpu.memory_space<semaphore_mem>>
        %dma_start3A_211 = arith.constant 0 : i32
        %dma_start3A_212 = arith.constant 0 : i32
        %dma_start3A_213 = tpu.memref_slice %arg7[%run_scoped3A_140, %dma_start3A_211, %dma_start3A_212] : memref<4x125x32xf32, #tpu.memory_space<vmem>> -> memref<1x125x32xf32, #tpu.memory_space<vmem>>
        %dma_start3A_214 = tpu.memref_squeeze %dma_start3A_213 : memref<1x125x32xf32, #tpu.memory_space<vmem>> -> memref<125x32xf32, #tpu.memory_space<vmem>>
        %dma_start3A_215 = arith.constant 0 : i32
        %dma_start3A_216 = tpu.memref_slice %arg6[%run_scoped3A_139, %dma_start3A_215] : memref<4x125xi32, #tpu.memory_space<vmem>> -> memref<1x125xi32, #tpu.memory_space<vmem>>
        %dma_start3A_217 = tpu.memref_squeeze %dma_start3A_216 : memref<1x125xi32, #tpu.memory_space<vmem>> -> memref<125xi32, #tpu.memory_space<vmem>>
        %dma_start3A_218 = arith.constant 0 : i32
        %dma_start3A_219 = arith.constant 0 : i32
        %dma_start3A_220 = tpu.memref_slice %arg8[%dma_start3A_218, %dma_start3A_219] : memref<50000x32xf32, #tpu.memory_space<vmem_shared>> -> memref<50000x32xf32, #tpu.memory_space<vmem_shared>>
        tpu.enqueue_indirect_dma source(%dma_start3A_220 : memref<50000x32xf32, #tpu.memory_space<vmem_shared>>) target(%dma_start3A_214 : memref<125x32xf32, #tpu.memory_space<vmem>>) offsets(%dma_start3A_217 : memref<125xi32, #tpu.memory_space<vmem>>) semaphore(%run_scoped3A_210 : memref<!tpu.dma_semaphore, #tpu.memory_space<semaphore_mem>>)
        %dma_wait3A_221 = arith.constant 0 : i32
        %dma_wait3A_222 = arith.constant 0 : i32
        %dma_wait3A_223 = tpu.memref_slice %arg7[%run_scoped3A_140, %dma_wait3A_221, %dma_wait3A_222] : memref<4x125x32xf32, #tpu.memory_space<vmem>> -> memref<1x125x32xf32, #tpu.memory_space<vmem>>
        %dma_wait3A_224 = tpu.memref_squeeze %dma_wait3A_223 : memref<1x125x32xf32, #tpu.memory_space<vmem>> -> memref<125x32xf32, #tpu.memory_space<vmem>>
        %dma_wait3A_225 = arith.constant 0 : i32
        %dma_wait3A_226 = tpu.memref_slice %arg6[%run_scoped3A_139, %dma_wait3A_225] : memref<4x125xi32, #tpu.memory_space<vmem>> -> memref<1x125xi32, #tpu.memory_space<vmem>>
        %dma_wait3A_227 = tpu.memref_squeeze %dma_wait3A_226 : memref<1x125xi32, #tpu.memory_space<vmem>> -> memref<125xi32, #tpu.memory_space<vmem>>
        %dma_wait3A_228 = arith.constant 0 : i32
        %dma_wait3A_229 = arith.constant 0 : i32
        %dma_wait3A_230 = tpu.memref_slice %arg8[%dma_wait3A_228, %dma_wait3A_229] : memref<50000x32xf32, #tpu.memory_space<vmem_shared>> -> memref<50000x32xf32, #tpu.memory_space<vmem_shared>>
        tpu.wait_indirect_dma semaphore(%run_scoped3A_210 : memref<!tpu.dma_semaphore, #tpu.memory_space<semaphore_mem>>) src(%dma_wait3A_230 : memref<50000x32xf32, #tpu.memory_space<vmem_shared>>) dst(%dma_wait3A_224 : memref<125x32xf32, #tpu.memory_space<vmem>>)
        tpu.yield
      }) : () -> ()
      %mul3A_141 = arith.constant 2 : i32
      %mul3A_142 = arith.muli %add3A_122, %mul3A_141 : i32
      %add3A_143 = arith.addi %mul3A_0, %mul3A_142 : i32
      %dma_start3A_144 = arith.constant 0 : i32
      %dma_start3A_145 = arith.constant 0 : i32
      %dma_start3A_146 = arith.constant 0 : i32
      %dma_start3A_147 = tpu.memref_slice %arg7[%dma_start3A_144, %dma_start3A_145, %dma_start3A_146] : memref<4x125x32xf32, #tpu.memory_space<vmem>> -> memref<2x125x32xf32, #tpu.memory_space<vmem>>
      %dma_start3A_148 = arith.constant 0 : i32
      %dma_start3A_149 = tpu.memref_slice %arg5[%add3A_143, %dma_start3A_148, %mul3A_2] : memref<6400x125x64xf32, #tpu.memory_space<hbm>> -> memref<2x125x32xf32, #tpu.memory_space<hbm>>
      %dma_start3A_150 = arith.constant 0 : i32
      %dma_start3A_151 = tpu.memref_slice %arg5[%add3A_143, %dma_start3A_150, %mul3A_2] : memref<6400x125x64xf32, #tpu.memory_space<hbm>> -> memref<2x125x32xf32, #tpu.memory_space<hbm>>
      %dma_start3A_152 = arith.constant 0 : i32
      %dma_start3A_153 = arith.constant 0 : i32
      %dma_start3A_154 = arith.constant 0 : i32
      %dma_start3A_155 = tpu.memref_slice %arg7[%dma_start3A_152, %dma_start3A_153, %dma_start3A_154] : memref<4x125x32xf32, #tpu.memory_space<vmem>> -> memref<2x125x32xf32, #tpu.memory_space<vmem>>
      tpu.enqueue_dma source(%dma_start3A_155 : memref<2x125x32xf32, #tpu.memory_space<vmem>>) target(%dma_start3A_151 : memref<2x125x32xf32, #tpu.memory_space<hbm>>) target_semaphore(%arg13 : memref<!tpu.dma_semaphore, #tpu.memory_space<semaphore_mem>>)
      %add3A_156 = arith.constant 2 : i32
      %add3A_157 = arith.addi %add3A_122, %add3A_156 : i32
      %lt3A = arith.constant 200 : i32
      %lt3A_158 = arith.cmpi slt, %add3A_157, %lt3A : i32
      %convert_element_type3A_159 = arith.extui %lt3A_158 : i1 to i32
      %cond3A_160 = arith.constant 0 : i32
      %cond3A_161 = arith.cmpi ne, %convert_element_type3A_159, %cond3A_160 : i32
      scf.if %cond3A_161 {
        %add3A_210 = arith.constant 2 : i32
        %add3A_211 = arith.addi %add3A_122, %add3A_210 : i32
        %mul3A_212 = arith.constant 2 : i32
        %mul3A_213 = arith.muli %add3A_211, %mul3A_212 : i32
        %add3A_214 = arith.addi %mul3A_0, %mul3A_213 : i32
        %dma_start3A_215 = arith.constant 0 : i32
        %dma_start3A_216 = arith.constant 0 : i32
        %dma_start3A_217 = tpu.memref_slice %arg6[%dma_start3A_215, %dma_start3A_216] : memref<4x125xi32, #tpu.memory_space<vmem>> -> memref<2x125xi32, #tpu.memory_space<vmem>>
        %dma_start3A_218 = arith.constant 0 : i32
        %dma_start3A_219 = tpu.memref_slice %arg3[%add3A_214, %dma_start3A_218] : memref<6400x125xi32, #tpu.memory_space<hbm>> -> memref<2x125xi32, #tpu.memory_space<hbm>>
        %dma_start3A_220 = arith.constant 0 : i32
        %dma_start3A_221 = arith.constant 0 : i32
        %dma_start3A_222 = tpu.memref_slice %arg6[%dma_start3A_220, %dma_start3A_221] : memref<4x125xi32, #tpu.memory_space<vmem>> -> memref<2x125xi32, #tpu.memory_space<vmem>>
        %dma_start3A_223 = arith.constant 0 : i32
        %dma_start3A_224 = tpu.memref_slice %arg3[%add3A_214, %dma_start3A_223] : memref<6400x125xi32, #tpu.memory_space<hbm>> -> memref<2x125xi32, #tpu.memory_space<hbm>>
        tpu.enqueue_dma source(%dma_start3A_224 : memref<2x125xi32, #tpu.memory_space<hbm>>) target(%dma_start3A_222 : memref<2x125xi32, #tpu.memory_space<vmem>>) target_semaphore(%arg9 : memref<!tpu.dma_semaphore, #tpu.memory_space<semaphore_mem>>)
      } else {
      }
      %mul3A_162 = arith.constant 2 : i32
      %mul3A_163 = arith.muli %mul3A_162, %scan3A_118 : i32
      %add3A_164 = arith.constant 1 : i32
      %add3A_165 = arith.addi %mul3A_163, %add3A_164 : i32
      %mul3A_166 = arith.constant 2 : i32
      %mul3A_167 = arith.muli %add3A_165, %mul3A_166 : i32
      %add3A_168 = arith.addi %mul3A_0, %mul3A_167 : i32
      %dma_wait3A_169 = arith.constant 2 : i32
      %dma_wait3A_170 = arith.constant 0 : i32
      %dma_wait3A_171 = tpu.memref_slice %arg6[%dma_wait3A_169, %dma_wait3A_170] : memref<4x125xi32, #tpu.memory_space<vmem>> -> memref<2x125xi32, #tpu.memory_space<vmem>>
      %dma_wait3A_172 = arith.constant 0 : i32
      %dma_wait3A_173 = tpu.memref_slice %arg3[%add3A_168, %dma_wait3A_172] : memref<6400x125xi32, #tpu.memory_space<hbm>> -> memref<2x125xi32, #tpu.memory_space<hbm>>
      %dma_wait3A_174 = arith.constant 2 : i32
      %dma_wait3A_175 = arith.constant 0 : i32
      %dma_wait3A_176 = tpu.memref_slice %arg6[%dma_wait3A_174, %dma_wait3A_175] : memref<4x125xi32, #tpu.memory_space<vmem>> -> memref<2x125xi32, #tpu.memory_space<vmem>>
      %dma_wait3A_177 = arith.constant 0 : i32
      %dma_wait3A_178 = tpu.memref_slice %arg3[%add3A_168, %dma_wait3A_177] : memref<6400x125xi32, #tpu.memory_space<hbm>> -> memref<2x125xi32, #tpu.memory_space<hbm>>
      tpu.wait_dma2 semaphore(%arg10 : memref<!tpu.dma_semaphore, #tpu.memory_space<semaphore_mem>>) src(%dma_wait3A_178 : memref<2x125xi32, #tpu.memory_space<hbm>>) dst(%dma_wait3A_176 : memref<2x125xi32, #tpu.memory_space<vmem>>)
      %ge3A_179 = arith.constant 2 : i32
      %ge3A_180 = arith.cmpi sge, %add3A_165, %ge3A_179 : i32
      %convert_element_type3A_181 = arith.extui %ge3A_180 : i1 to i32
      %cond3A_182 = arith.constant 0 : i32
      %cond3A_183 = arith.cmpi ne, %convert_element_type3A_181, %cond3A_182 : i32
      scf.if %cond3A_183 {
        %sub3A = arith.constant 2 : i32
        %sub3A_210 = arith.subi %add3A_165, %sub3A : i32
        %mul3A_211 = arith.constant 2 : i32
        %mul3A_212 = arith.muli %sub3A_210, %mul3A_211 : i32
        %add3A_213 = arith.addi %mul3A_0, %mul3A_212 : i32
        %dma_wait3A_214 = arith.constant 2 : i32
        %dma_wait3A_215 = arith.constant 0 : i32
        %dma_wait3A_216 = arith.constant 0 : i32
        %dma_wait3A_217 = tpu.memref_slice %arg7[%dma_wait3A_214, %dma_wait3A_215, %dma_wait3A_216] : memref<4x125x32xf32, #tpu.memory_space<vmem>> -> memref<2x125x32xf32, #tpu.memory_space<vmem>>
        %dma_wait3A_218 = arith.constant 0 : i32
        %dma_wait3A_219 = tpu.memref_slice %arg5[%add3A_213, %dma_wait3A_218, %mul3A_2] : memref<6400x125x64xf32, #tpu.memory_space<hbm>> -> memref<2x125x32xf32, #tpu.memory_space<hbm>>
        %dma_wait3A_220 = arith.constant 0 : i32
        %dma_wait3A_221 = tpu.memref_slice %arg5[%add3A_213, %dma_wait3A_220, %mul3A_2] : memref<6400x125x64xf32, #tpu.memory_space<hbm>> -> memref<2x125x32xf32, #tpu.memory_space<hbm>>
        %dma_wait3A_222 = arith.constant 2 : i32
        %dma_wait3A_223 = arith.constant 0 : i32
        %dma_wait3A_224 = arith.constant 0 : i32
        %dma_wait3A_225 = tpu.memref_slice %arg7[%dma_wait3A_222, %dma_wait3A_223, %dma_wait3A_224] : memref<4x125x32xf32, #tpu.memory_space<vmem>> -> memref<2x125x32xf32, #tpu.memory_space<vmem>>
        tpu.wait_dma2 semaphore(%arg14 : memref<!tpu.dma_semaphore, #tpu.memory_space<semaphore_mem>>) src(%dma_wait3A_225 : memref<2x125x32xf32, #tpu.memory_space<vmem>>) dst(%dma_wait3A_221 : memref<2x125x32xf32, #tpu.memory_space<hbm>>)
      } else {
      }
      %run_scoped3A_184 = arith.constant 2 : i32
      %run_scoped3A_185 = arith.constant 2 : i32
      "tpu.region"() ({
        %run_scoped3A_210 = tpu.sem_alloc : memref<!tpu.dma_semaphore, #tpu.memory_space<semaphore_mem>>
        %dma_start3A_211 = arith.constant 0 : i32
        %dma_start3A_212 = arith.constant 0 : i32
        %dma_start3A_213 = tpu.memref_slice %arg7[%run_scoped3A_185, %dma_start3A_211, %dma_start3A_212] : memref<4x125x32xf32, #tpu.memory_space<vmem>> -> memref<1x125x32xf32, #tpu.memory_space<vmem>>
        %dma_start3A_214 = tpu.memref_squeeze %dma_start3A_213 : memref<1x125x32xf32, #tpu.memory_space<vmem>> -> memref<125x32xf32, #tpu.memory_space<vmem>>
        %dma_start3A_215 = arith.constant 0 : i32
        %dma_start3A_216 = tpu.memref_slice %arg6[%run_scoped3A_184, %dma_start3A_215] : memref<4x125xi32, #tpu.memory_space<vmem>> -> memref<1x125xi32, #tpu.memory_space<vmem>>
        %dma_start3A_217 = tpu.memref_squeeze %dma_start3A_216 : memref<1x125xi32, #tpu.memory_space<vmem>> -> memref<125xi32, #tpu.memory_space<vmem>>
        %dma_start3A_218 = arith.constant 0 : i32
        %dma_start3A_219 = arith.constant 0 : i32
        %dma_start3A_220 = tpu.memref_slice %arg8[%dma_start3A_218, %dma_start3A_219] : memref<50000x32xf32, #tpu.memory_space<vmem_shared>> -> memref<50000x32xf32, #tpu.memory_space<vmem_shared>>
        tpu.enqueue_indirect_dma source(%dma_start3A_220 : memref<50000x32xf32, #tpu.memory_space<vmem_shared>>) target(%dma_start3A_214 : memref<125x32xf32, #tpu.memory_space<vmem>>) offsets(%dma_start3A_217 : memref<125xi32, #tpu.memory_space<vmem>>) semaphore(%run_scoped3A_210 : memref<!tpu.dma_semaphore, #tpu.memory_space<semaphore_mem>>)
        %dma_wait3A_221 = arith.constant 0 : i32
        %dma_wait3A_222 = arith.constant 0 : i32
        %dma_wait3A_223 = tpu.memref_slice %arg7[%run_scoped3A_185, %dma_wait3A_221, %dma_wait3A_222] : memref<4x125x32xf32, #tpu.memory_space<vmem>> -> memref<1x125x32xf32, #tpu.memory_space<vmem>>
        %dma_wait3A_224 = tpu.memref_squeeze %dma_wait3A_223 : memref<1x125x32xf32, #tpu.memory_space<vmem>> -> memref<125x32xf32, #tpu.memory_space<vmem>>
        %dma_wait3A_225 = arith.constant 0 : i32
        %dma_wait3A_226 = tpu.memref_slice %arg6[%run_scoped3A_184, %dma_wait3A_225] : memref<4x125xi32, #tpu.memory_space<vmem>> -> memref<1x125xi32, #tpu.memory_space<vmem>>
        %dma_wait3A_227 = tpu.memref_squeeze %dma_wait3A_226 : memref<1x125xi32, #tpu.memory_space<vmem>> -> memref<125xi32, #tpu.memory_space<vmem>>
        %dma_wait3A_228 = arith.constant 0 : i32
        %dma_wait3A_229 = arith.constant 0 : i32
        %dma_wait3A_230 = tpu.memref_slice %arg8[%dma_wait3A_228, %dma_wait3A_229] : memref<50000x32xf32, #tpu.memory_space<vmem_shared>> -> memref<50000x32xf32, #tpu.memory_space<vmem_shared>>
        tpu.wait_indirect_dma semaphore(%run_scoped3A_210 : memref<!tpu.dma_semaphore, #tpu.memory_space<semaphore_mem>>) src(%dma_wait3A_230 : memref<50000x32xf32, #tpu.memory_space<vmem_shared>>) dst(%dma_wait3A_224 : memref<125x32xf32, #tpu.memory_space<vmem>>)
        tpu.yield
      }) : () -> ()
      %run_scoped3A_186 = arith.constant 3 : i32
      %run_scoped3A_187 = arith.constant 3 : i32
      "tpu.region"() ({
        %run_scoped3A_210 = tpu.sem_alloc : memref<!tpu.dma_semaphore, #tpu.memory_space<semaphore_mem>>
        %dma_start3A_211 = arith.constant 0 : i32
        %dma_start3A_212 = arith.constant 0 : i32
        %dma_start3A_213 = tpu.memref_slice %arg7[%run_scoped3A_187, %dma_start3A_211, %dma_start3A_212] : memref<4x125x32xf32, #tpu.memory_space<vmem>> -> memref<1x125x32xf32, #tpu.memory_space<vmem>>
        %dma_start3A_214 = tpu.memref_squeeze %dma_start3A_213 : memref<1x125x32xf32, #tpu.memory_space<vmem>> -> memref<125x32xf32, #tpu.memory_space<vmem>>
        %dma_start3A_215 = arith.constant 0 : i32
        %dma_start3A_216 = tpu.memref_slice %arg6[%run_scoped3A_186, %dma_start3A_215] : memref<4x125xi32, #tpu.memory_space<vmem>> -> memref<1x125xi32, #tpu.memory_space<vmem>>
        %dma_start3A_217 = tpu.memref_squeeze %dma_start3A_216 : memref<1x125xi32, #tpu.memory_space<vmem>> -> memref<125xi32, #tpu.memory_space<vmem>>
        %dma_start3A_218 = arith.constant 0 : i32
        %dma_start3A_219 = arith.constant 0 : i32
        %dma_start3A_220 = tpu.memref_slice %arg8[%dma_start3A_218, %dma_start3A_219] : memref<50000x32xf32, #tpu.memory_space<vmem_shared>> -> memref<50000x32xf32, #tpu.memory_space<vmem_shared>>
        tpu.enqueue_indirect_dma source(%dma_start3A_220 : memref<50000x32xf32, #tpu.memory_space<vmem_shared>>) target(%dma_start3A_214 : memref<125x32xf32, #tpu.memory_space<vmem>>) offsets(%dma_start3A_217 : memref<125xi32, #tpu.memory_space<vmem>>) semaphore(%run_scoped3A_210 : memref<!tpu.dma_semaphore, #tpu.memory_space<semaphore_mem>>)
        %dma_wait3A_221 = arith.constant 0 : i32
        %dma_wait3A_222 = arith.constant 0 : i32
        %dma_wait3A_223 = tpu.memref_slice %arg7[%run_scoped3A_187, %dma_wait3A_221, %dma_wait3A_222] : memref<4x125x32xf32, #tpu.memory_space<vmem>> -> memref<1x125x32xf32, #tpu.memory_space<vmem>>
        %dma_wait3A_224 = tpu.memref_squeeze %dma_wait3A_223 : memref<1x125x32xf32, #tpu.memory_space<vmem>> -> memref<125x32xf32, #tpu.memory_space<vmem>>
        %dma_wait3A_225 = arith.constant 0 : i32
        %dma_wait3A_226 = tpu.memref_slice %arg6[%run_scoped3A_186, %dma_wait3A_225] : memref<4x125xi32, #tpu.memory_space<vmem>> -> memref<1x125xi32, #tpu.memory_space<vmem>>
        %dma_wait3A_227 = tpu.memref_squeeze %dma_wait3A_226 : memref<1x125xi32, #tpu.memory_space<vmem>> -> memref<125xi32, #tpu.memory_space<vmem>>
        %dma_wait3A_228 = arith.constant 0 : i32
        %dma_wait3A_229 = arith.constant 0 : i32
        %dma_wait3A_230 = tpu.memref_slice %arg8[%dma_wait3A_228, %dma_wait3A_229] : memref<50000x32xf32, #tpu.memory_space<vmem_shared>> -> memref<50000x32xf32, #tpu.memory_space<vmem_shared>>
        tpu.wait_indirect_dma semaphore(%run_scoped3A_210 : memref<!tpu.dma_semaphore, #tpu.memory_space<semaphore_mem>>) src(%dma_wait3A_230 : memref<50000x32xf32, #tpu.memory_space<vmem_shared>>) dst(%dma_wait3A_224 : memref<125x32xf32, #tpu.memory_space<vmem>>)
        tpu.yield
      }) : () -> ()
      %mul3A_188 = arith.constant 2 : i32
      %mul3A_189 = arith.muli %add3A_165, %mul3A_188 : i32
      %add3A_190 = arith.addi %mul3A_0, %mul3A_189 : i32
      %dma_start3A_191 = arith.constant 2 : i32
      %dma_start3A_192 = arith.constant 0 : i32
      %dma_start3A_193 = arith.constant 0 : i32
      %dma_start3A_194 = tpu.memref_slice %arg7[%dma_start3A_191, %dma_start3A_192, %dma_start3A_193] : memref<4x125x32xf32, #tpu.memory_space<vmem>> -> memref<2x125x32xf32, #tpu.memory_space<vmem>>
      %dma_start3A_195 = arith.constant 0 : i32
      %dma_start3A_196 = tpu.memref_slice %arg5[%add3A_190, %dma_start3A_195, %mul3A_2] : memref<6400x125x64xf32, #tpu.memory_space<hbm>> -> memref<2x125x32xf32, #tpu.memory_space<hbm>>
      %dma_start3A_197 = arith.constant 0 : i32
      %dma_start3A_198 = tpu.memref_slice %arg5[%add3A_190, %dma_start3A_197, %mul3A_2] : memref<6400x125x64xf32, #tpu.memory_space<hbm>> -> memref<2x125x32xf32, #tpu.memory_space<hbm>>
      %dma_start3A_199 = arith.constant 2 : i32
      %dma_start3A_200 = arith.constant 0 : i32
      %dma_start3A_201 = arith.constant 0 : i32
      %dma_start3A_202 = tpu.memref_slice %arg7[%dma_start3A_199, %dma_start3A_200, %dma_start3A_201] : memref<4x125x32xf32, #tpu.memory_space<vmem>> -> memref<2x125x32xf32, #tpu.memory_space<vmem>>
      tpu.enqueue_dma source(%dma_start3A_202 : memref<2x125x32xf32, #tpu.memory_space<vmem>>) target(%dma_start3A_198 : memref<2x125x32xf32, #tpu.memory_space<hbm>>) target_semaphore(%arg14 : memref<!tpu.dma_semaphore, #tpu.memory_space<semaphore_mem>>)
      %add3A_203 = arith.constant 2 : i32
      %add3A_204 = arith.addi %add3A_165, %add3A_203 : i32
      %lt3A_205 = arith.constant 200 : i32
      %lt3A_206 = arith.cmpi slt, %add3A_204, %lt3A_205 : i32
      %convert_element_type3A_207 = arith.extui %lt3A_206 : i1 to i32
      %cond3A_208 = arith.constant 0 : i32
      %cond3A_209 = arith.cmpi ne, %convert_element_type3A_207, %cond3A_208 : i32
      scf.if %cond3A_209 {
        %add3A_210 = arith.constant 2 : i32
        %add3A_211 = arith.addi %add3A_165, %add3A_210 : i32
        %mul3A_212 = arith.constant 2 : i32
        %mul3A_213 = arith.muli %add3A_211, %mul3A_212 : i32
        %add3A_214 = arith.addi %mul3A_0, %mul3A_213 : i32
        %dma_start3A_215 = arith.constant 2 : i32
        %dma_start3A_216 = arith.constant 0 : i32
        %dma_start3A_217 = tpu.memref_slice %arg6[%dma_start3A_215, %dma_start3A_216] : memref<4x125xi32, #tpu.memory_space<vmem>> -> memref<2x125xi32, #tpu.memory_space<vmem>>
        %dma_start3A_218 = arith.constant 0 : i32
        %dma_start3A_219 = tpu.memref_slice %arg3[%add3A_214, %dma_start3A_218] : memref<6400x125xi32, #tpu.memory_space<hbm>> -> memref<2x125xi32, #tpu.memory_space<hbm>>
        %dma_start3A_220 = arith.constant 2 : i32
        %dma_start3A_221 = arith.constant 0 : i32
        %dma_start3A_222 = tpu.memref_slice %arg6[%dma_start3A_220, %dma_start3A_221] : memref<4x125xi32, #tpu.memory_space<vmem>> -> memref<2x125xi32, #tpu.memory_space<vmem>>
        %dma_start3A_223 = arith.constant 0 : i32
        %dma_start3A_224 = tpu.memref_slice %arg3[%add3A_214, %dma_start3A_223] : memref<6400x125xi32, #tpu.memory_space<hbm>> -> memref<2x125xi32, #tpu.memory_space<hbm>>
        tpu.enqueue_dma source(%dma_start3A_224 : memref<2x125xi32, #tpu.memory_space<hbm>>) target(%dma_start3A_222 : memref<2x125xi32, #tpu.memory_space<vmem>>) target_semaphore(%arg10 : memref<!tpu.dma_semaphore, #tpu.memory_space<semaphore_mem>>)
      } else {
      }
    }
    %scan3A_90 = arith.constant 100 : i32
    %add3A_91 = arith.constant 396 : i32
    %add3A_92 = arith.addi %mul3A_0, %add3A_91 : i32
    %dma_wait3A = arith.constant 0 : i32
    %dma_wait3A_93 = arith.constant 0 : i32
    %dma_wait3A_94 = arith.constant 0 : i32
    %dma_wait3A_95 = tpu.memref_slice %arg7[%dma_wait3A, %dma_wait3A_93, %dma_wait3A_94] : memref<4x125x32xf32, #tpu.memory_space<vmem>> -> memref<2x125x32xf32, #tpu.memory_space<vmem>>
    %dma_wait3A_96 = arith.constant 0 : i32
    %dma_wait3A_97 = tpu.memref_slice %arg5[%add3A_92, %dma_wait3A_96, %mul3A_2] : memref<6400x125x64xf32, #tpu.memory_space<hbm>> -> memref<2x125x32xf32, #tpu.memory_space<hbm>>
    %dma_wait3A_98 = arith.constant 0 : i32
    %dma_wait3A_99 = tpu.memref_slice %arg5[%add3A_92, %dma_wait3A_98, %mul3A_2] : memref<6400x125x64xf32, #tpu.memory_space<hbm>> -> memref<2x125x32xf32, #tpu.memory_space<hbm>>
    %dma_wait3A_100 = arith.constant 0 : i32
    %dma_wait3A_101 = arith.constant 0 : i32
    %dma_wait3A_102 = arith.constant 0 : i32
    %dma_wait3A_103 = tpu.memref_slice %arg7[%dma_wait3A_100, %dma_wait3A_101, %dma_wait3A_102] : memref<4x125x32xf32, #tpu.memory_space<vmem>> -> memref<2x125x32xf32, #tpu.memory_space<vmem>>
    tpu.wait_dma2 semaphore(%arg13 : memref<!tpu.dma_semaphore, #tpu.memory_space<semaphore_mem>>) src(%dma_wait3A_103 : memref<2x125x32xf32, #tpu.memory_space<vmem>>) dst(%dma_wait3A_99 : memref<2x125x32xf32, #tpu.memory_space<hbm>>)
    %add3A_104 = arith.constant 398 : i32
    %add3A_105 = arith.addi %mul3A_0, %add3A_104 : i32
    %dma_wait3A_106 = arith.constant 2 : i32
    %dma_wait3A_107 = arith.constant 0 : i32
    %dma_wait3A_108 = arith.constant 0 : i32
    %dma_wait3A_109 = tpu.memref_slice %arg7[%dma_wait3A_106, %dma_wait3A_107, %dma_wait3A_108] : memref<4x125x32xf32, #tpu.memory_space<vmem>> -> memref<2x125x32xf32, #tpu.memory_space<vmem>>
    %dma_wait3A_110 = arith.constant 0 : i32
    %dma_wait3A_111 = tpu.memref_slice %arg5[%add3A_105, %dma_wait3A_110, %mul3A_2] : memref<6400x125x64xf32, #tpu.memory_space<hbm>> -> memref<2x125x32xf32, #tpu.memory_space<hbm>>
    %dma_wait3A_112 = arith.constant 0 : i32
    %dma_wait3A_113 = tpu.memref_slice %arg5[%add3A_105, %dma_wait3A_112, %mul3A_2] : memref<6400x125x64xf32, #tpu.memory_space<hbm>> -> memref<2x125x32xf32, #tpu.memory_space<hbm>>
    %dma_wait3A_114 = arith.constant 2 : i32
    %dma_wait3A_115 = arith.constant 0 : i32
    %dma_wait3A_116 = arith.constant 0 : i32
    %dma_wait3A_117 = tpu.memref_slice %arg7[%dma_wait3A_114, %dma_wait3A_115, %dma_wait3A_116] : memref<4x125x32xf32, #tpu.memory_space<vmem>> -> memref<2x125x32xf32, #tpu.memory_space<vmem>>
    tpu.wait_dma2 semaphore(%arg14 : memref<!tpu.dma_semaphore, #tpu.memory_space<semaphore_mem>>) src(%dma_wait3A_117 : memref<2x125x32xf32, #tpu.memory_space<vmem>>) dst(%dma_wait3A_113 : memref<2x125x32xf32, #tpu.memory_space<hbm>>)
    return
  }
}

module attributes {stable_mosaic.version = 14 : i64} {
  func.func @_pass1_body(%arg0: i32, %arg1: memref<64x6400xf32, #tpu.memory_space<vmem>>, %arg2: memref<3x6400xf32, #tpu.memory_space<vmem>>, %arg3: memref<64x64xf32, #tpu.memory_space<vmem>>, %arg4: memref<3x64xf32, #tpu.memory_space<vmem>>, %arg5: memref<3200x128xf32, #tpu.memory_space<vmem>>) attributes {dimension_semantics = [#tpu.dimension_semantics<arbitrary>], iteration_bounds = array<i64: 125>, scalar_prefetch = 0 : i64, scratch_operands = 0 : i64, tpu.core_type = #tpu.core_type<tc>, window_params = [{transform_indices = @transform_0, window_bounds = array<i64: 64, 6400>}, {transform_indices = @transform_1, window_bounds = array<i64: 3, 6400>}, {pipeline_mode = #tpu.pipeline_mode<synchronous>, transform_indices = @transform_2, window_bounds = array<i64: 64, 64>}, {pipeline_mode = #tpu.pipeline_mode<synchronous>, transform_indices = @transform_3, window_bounds = array<i64: 3, 64>}, {transform_indices = @transform_4, window_bounds = array<i64: 3200, 128>}]} {
    %get3A = arith.constant 0 : index
    %get3A_0 = arith.constant 0 : index
    %get3A_1 = vector.load %arg1[%get3A, %get3A_0] : memref<64x6400xf32, #tpu.memory_space<vmem>>, vector<64x6400xf32>
    %get3A_2 = arith.constant 0 : index
    %get3A_3 = arith.constant 0 : index
    %get3A_4 = vector.load %arg2[%get3A_2, %get3A_3] : memref<3x6400xf32, #tpu.memory_space<vmem>>, vector<3x6400xf32>
    %mul3A = arith.mulf %get3A_4, %get3A_4 : vector<3x6400xf32>
    %reduce_sum3A = arith.constant dense<0.000000e+00> : vector<6400xf32>
    %reduce_sum3A_5 = vector.multi_reduction <add>, %mul3A, %reduce_sum3A [0] : vector<3x6400xf32> to vector<6400xf32>
    %broadcast_in_dim3A = vector.shape_cast %reduce_sum3A_5 : vector<6400xf32> to vector<1x6400xf32>
    %sqrt3A = math.sqrt %broadcast_in_dim3A : vector<1x6400xf32>
    %max3A = arith.constant 9.99999971E-10 : f32
    %max3A_6 = vector.broadcast %max3A : f32 to vector<1x6400xf32>
    %max3A_7 = arith.maximumf %sqrt3A, %max3A_6 : vector<1x6400xf32>
    %div3A = arith.constant 1.000000e+00 : f32
    %div3A_8 = vector.broadcast %div3A : f32 to vector<1x6400xf32>
    %div3A_9 = arith.divf %div3A_8, %max3A_7 : vector<1x6400xf32>
    %mul3A_10 = vector.broadcast %div3A_9 : vector<1x6400xf32> to vector<3x6400xf32>
    %mul3A_11 = arith.mulf %get3A_4, %mul3A_10 : vector<3x6400xf32>
    %get3A_12 = arith.constant 0 : index
    %get3A_13 = arith.constant 0 : index
    %get3A_14 = vector.load %arg3[%get3A_12, %get3A_13] : memref<64x64xf32, #tpu.memory_space<vmem>>, vector<64x64xf32>
    %dot_general3A = arith.constant dense<0.000000e+00> : vector<6400x64xf32>
    %dot_general3A_15 = tpu.matmul %get3A_1, %get3A_14, %dot_general3A {dimension_numbers = #tpu.dot_dimension_numbers<[0], [0], [1], [1], [0, 1, 1, 1], [], []>, transpose_lhs_hint = false} : vector<64x6400xf32>, vector<64x64xf32>, vector<6400x64xf32> -> vector<6400x64xf32>
    %get3A_16 = arith.constant 0 : index
    %get3A_17 = arith.constant 0 : index
    %get3A_18 = vector.load %arg4[%get3A_16, %get3A_17] : memref<3x64xf32, #tpu.memory_space<vmem>>, vector<3x64xf32>
    %dot_general3A_19 = arith.constant dense<0.000000e+00> : vector<6400x64xf32>
    %dot_general3A_20 = tpu.matmul %mul3A_11, %get3A_18, %dot_general3A_19 {dimension_numbers = #tpu.dot_dimension_numbers<[0], [0], [1], [1], [0, 1, 1, 1], [], []>, transpose_lhs_hint = false} : vector<3x6400xf32>, vector<3x64xf32>, vector<6400x64xf32> -> vector<6400x64xf32>
    %iota3A = tpu.iota {dimensions = array<i32: 1>} : vector<6400x64xi32>
    %lt3A = arith.constant 16 : i32
    %lt3A_21 = vector.broadcast %lt3A : i32 to vector<6400x64xi32>
    %lt3A_22 = arith.cmpi slt, %iota3A, %lt3A_21 : vector<6400x64xi32>
    %jit3A = arith.constant 1.000000e+00 : f32
    %jit3A_23 = arith.constant 0.000000e+00 : f32
    %broadcast_in_dim3A_24 = vector.broadcast %jit3A : f32 to vector<6400x64xf32>
    %broadcast_in_dim3A_25 = vector.broadcast %jit3A_23 : f32 to vector<6400x64xf32>
    %select_n3A = arith.select %lt3A_22, %broadcast_in_dim3A_24, %broadcast_in_dim3A_25 : vector<6400x64xi1>, vector<6400x64xf32>
    %add3A = arith.addf %dot_general3A_20, %select_n3A : vector<6400x64xf32>
    %mul3A_26 = arith.mulf %dot_general3A_15, %add3A : vector<6400x64xf32>
    %slice3A = vector.extract_strided_slice %mul3A_26 {offsets = [0, 0], sizes = [3200, 64], strides = [1, 1]} : vector<6400x64xf32> to vector<3200x64xf32>
    %slice3A_27 = vector.extract_strided_slice %mul3A_26 {offsets = [3200, 0], sizes = [3200, 64], strides = [1, 1]} : vector<6400x64xf32> to vector<3200x64xf32>
    %concatenate3A = tpu.concatenate %slice3A, %slice3A_27 in 1 : vector<3200x64xf32>, vector<3200x64xf32> -> vector<3200x128xf32>
    %swap3A = arith.constant 0 : index
    %swap3A_28 = arith.constant 0 : index
    %swap3A_29 = vector.load %arg5[%swap3A, %swap3A_28] : memref<3200x128xf32, #tpu.memory_space<vmem>>, vector<3200x128xf32>
    tpu.vector_store %arg5[%swap3A, %swap3A_28], %concatenate3A {strides = array<i32>} : memref<3200x128xf32, #tpu.memory_space<vmem>>, vector<3200x128xf32>,
    return
  }
  func.func @transform_0(%arg0: i32) -> (i32, i32) {
    %c0_i32 = arith.constant 0 : i32
    %c0_i32_0 = arith.constant 0 : i32
    return %c0_i32, %arg0 : i32, i32
  }
  func.func @transform_1(%arg0: i32) -> (i32, i32) {
    %c0_i32 = arith.constant 0 : i32
    %c0_i32_0 = arith.constant 0 : i32
    return %c0_i32, %arg0 : i32, i32
  }
  func.func @transform_2(%arg0: i32) -> (i32, i32) {
    %c0_i32 = arith.constant 0 : i32
    %c0_i32_0 = arith.constant 0 : i32
    %c0_i32_1 = arith.constant 0 : i32
    return %c0_i32, %c0_i32_0 : i32, i32
  }
  func.func @transform_3(%arg0: i32) -> (i32, i32) {
    %c0_i32 = arith.constant 0 : i32
    %c0_i32_0 = arith.constant 0 : i32
    %c0_i32_1 = arith.constant 0 : i32
    return %c0_i32, %c0_i32_0 : i32, i32
  }
  func.func @transform_4(%arg0: i32) -> (i32, i32) {
    %c0_i32 = arith.constant 0 : i32
    %c0_i32_0 = arith.constant 0 : i32
    return %arg0, %c0_i32 : i32, i32
  }
}

module attributes {stable_mosaic.version = 14 : i64} {
  func.func @_pass2_body(%arg0: i32, %arg1: memref<64x6400xf32, #tpu.memory_space<vmem>>, %arg2: memref<64x6400xf32, #tpu.memory_space<vmem>>, %arg3: memref<3200x128xf32, #tpu.memory_space<vmem>>, %arg4: memref<3x6400xf32, #tpu.memory_space<vmem>>, %arg5: memref<64x128xf32, #tpu.memory_space<vmem>>, %arg6: memref<64x128xf32, #tpu.memory_space<vmem>>, %arg7: memref<48x128xf32, #tpu.memory_space<vmem>>, %arg8: memref<64x64xf32, #tpu.memory_space<vmem>>, %arg9: memref<64x64xf32, #tpu.memory_space<vmem>>, %arg10: memref<64x64xf32, #tpu.memory_space<vmem>>, %arg11: memref<64x64xf32, #tpu.memory_space<vmem>>, %arg12: memref<64x6400xf32, #tpu.memory_space<vmem>>, %arg13: memref<48x6400xf32, #tpu.memory_space<vmem>>) attributes {dimension_semantics = [#tpu.dimension_semantics<arbitrary>], iteration_bounds = array<i64: 125>, scalar_prefetch = 0 : i64, scratch_operands = 0 : i64, tpu.core_type = #tpu.core_type<tc>, window_params = [{transform_indices = @transform_0, window_bounds = array<i64: 64, 6400>}, {transform_indices = @transform_1, window_bounds = array<i64: 64, 6400>}, {transform_indices = @transform_2, window_bounds = array<i64: 3200, 128>}, {transform_indices = @transform_3, window_bounds = array<i64: 3, 6400>}, {pipeline_mode = #tpu.pipeline_mode<synchronous>, transform_indices = @transform_4, window_bounds = array<i64: 64, 128>}, {pipeline_mode = #tpu.pipeline_mode<synchronous>, transform_indices = @transform_5, window_bounds = array<i64: 64, 128>}, {pipeline_mode = #tpu.pipeline_mode<synchronous>, transform_indices = @transform_6, window_bounds = array<i64: 48, 128>}, {pipeline_mode = #tpu.pipeline_mode<synchronous>, transform_indices = @transform_7, window_bounds = array<i64: 64, 64>}, {pipeline_mode = #tpu.pipeline_mode<synchronous>, transform_indices = @transform_8, window_bounds = array<i64: 64, 64>}, {pipeline_mode = #tpu.pipeline_mode<synchronous>, transform_indices = @transform_9, window_bounds = array<i64: 64, 64>}, {pipeline_mode = #tpu.pipeline_mode<synchronous>, transform_indices = @transform_10, window_bounds = array<i64: 64, 64>}, {transform_indices = @transform_11, window_bounds = array<i64: 64, 6400>}, {transform_indices = @transform_12, window_bounds = array<i64: 48, 6400>}]} {
    %get3A = arith.constant 0 : index
    %get3A_0 = arith.constant 0 : index
    %get3A_1 = vector.load %arg3[%get3A, %get3A_0] : memref<3200x128xf32, #tpu.memory_space<vmem>>, vector<3200x128xf32>
    %slice3A = vector.extract_strided_slice %get3A_1 {offsets = [0, 0], sizes = [3200, 64], strides = [1, 1]} : vector<3200x128xf32> to vector<3200x64xf32>
    %slice3A_2 = vector.extract_strided_slice %get3A_1 {offsets = [0, 64], sizes = [3200, 64], strides = [1, 1]} : vector<3200x128xf32> to vector<3200x64xf32>
    %concatenate3A = tpu.concatenate %slice3A, %slice3A_2 in 0 : vector<3200x64xf32>, vector<3200x64xf32> -> vector<6400x64xf32>
    %get3A_3 = arith.constant 0 : index
    %get3A_4 = arith.constant 0 : index
    %get3A_5 = vector.load %arg2[%get3A_3, %get3A_4] : memref<64x6400xf32, #tpu.memory_space<vmem>>, vector<64x6400xf32>
    %get3A_6 = arith.constant 0 : index
    %get3A_7 = arith.constant 0 : index
    %get3A_8 = vector.load %arg5[%get3A_6, %get3A_7] : memref<64x128xf32, #tpu.memory_space<vmem>>, vector<64x128xf32>
    %dot_general3A = arith.constant dense<0.000000e+00> : vector<6400x128xf32>
    %dot_general3A_9 = tpu.matmul %get3A_5, %get3A_8, %dot_general3A {dimension_numbers = #tpu.dot_dimension_numbers<[0], [0], [1], [1], [0, 1, 1, 1], [], []>, transpose_lhs_hint = false} : vector<64x6400xf32>, vector<64x128xf32>, vector<6400x128xf32> -> vector<6400x128xf32>
    %get3A_10 = arith.constant 0 : index
    %get3A_11 = arith.constant 0 : index
    %get3A_12 = vector.load %arg6[%get3A_10, %get3A_11] : memref<64x128xf32, #tpu.memory_space<vmem>>, vector<64x128xf32>
    %dot_general3A_13 = arith.constant dense<0.000000e+00> : vector<6400x128xf32>
    %dot_general3A_14 = tpu.matmul %concatenate3A, %get3A_12, %dot_general3A_13 {dimension_numbers = #tpu.dot_dimension_numbers<[1], [0], [0], [1], [0, 0, 1, 1], [], []>, transpose_lhs_hint = false} : vector<6400x64xf32>, vector<64x128xf32>, vector<6400x128xf32> -> vector<6400x128xf32>
    %mul3A = arith.mulf %dot_general3A_9, %dot_general3A_14 : vector<6400x128xf32>
    %get3A_15 = arith.constant 0 : index
    %get3A_16 = arith.constant 0 : index
    %get3A_17 = vector.load %arg7[%get3A_15, %get3A_16] : memref<48x128xf32, #tpu.memory_space<vmem>>, vector<48x128xf32>
    %dot_general3A_18 = arith.constant dense<0.000000e+00> : vector<48x6400xf32>
    %dot_general3A_19 = tpu.matmul %get3A_17, %mul3A, %dot_general3A_18 {dimension_numbers = #tpu.dot_dimension_numbers<[1], [1], [0], [0], [0, 0, 1, 0], [], []>, transpose_lhs_hint = false} : vector<48x128xf32>, vector<6400x128xf32>, vector<48x6400xf32> -> vector<48x6400xf32>
    %swap3A = arith.constant 0 : index
    %swap3A_20 = arith.constant 0 : index
    %swap3A_21 = vector.load %arg13[%swap3A, %swap3A_20] : memref<48x6400xf32, #tpu.memory_space<vmem>>, vector<48x6400xf32>
    tpu.vector_store %arg13[%swap3A, %swap3A_20], %dot_general3A_19 {strides = array<i32>} : memref<48x6400xf32, #tpu.memory_space<vmem>>, vector<48x6400xf32>,
    %slice3A_22 = vector.extract_strided_slice %dot_general3A_9 {offsets = [0, 0], sizes = [6400, 64], strides = [1, 1]} : vector<6400x128xf32> to vector<6400x64xf32>
    %mul3A_23 = arith.mulf %concatenate3A, %slice3A_22 : vector<6400x64xf32>
    %get3A_24 = arith.constant 0 : index
    %get3A_25 = arith.constant 0 : index
    %get3A_26 = vector.load %arg1[%get3A_24, %get3A_25] : memref<64x6400xf32, #tpu.memory_space<vmem>>, vector<64x6400xf32>
    %get3A_27 = arith.constant 0 : index
    %get3A_28 = arith.constant 0 : index
    %get3A_29 = vector.load %arg8[%get3A_27, %get3A_28] : memref<64x64xf32, #tpu.memory_space<vmem>>, vector<64x64xf32>
    %dot_general3A_30 = arith.constant dense<0.000000e+00> : vector<64x6400xf32>
    %dot_general3A_31 = tpu.matmul %get3A_29, %get3A_26, %dot_general3A_30 {dimension_numbers = #tpu.dot_dimension_numbers<[1], [0], [0], [1], [0, 0, 1, 1], [], []>, transpose_lhs_hint = false} : vector<64x64xf32>, vector<64x6400xf32>, vector<64x6400xf32> -> vector<64x6400xf32>
    %get3A_32 = arith.constant 0 : index
    %get3A_33 = arith.constant 0 : index
    %get3A_34 = vector.load %arg9[%get3A_32, %get3A_33] : memref<64x64xf32, #tpu.memory_space<vmem>>, vector<64x64xf32>
    %dot_general3A_35 = arith.constant dense<0.000000e+00> : vector<64x6400xf32>
    %dot_general3A_36 = tpu.matmul %get3A_34, %mul3A_23, %dot_general3A_35 {dimension_numbers = #tpu.dot_dimension_numbers<[1], [1], [0], [0], [0, 0, 1, 0], [], []>, transpose_lhs_hint = false} : vector<64x64xf32>, vector<6400x64xf32>, vector<64x6400xf32> -> vector<64x6400xf32>
    %add3A = arith.addf %dot_general3A_31, %dot_general3A_36 : vector<64x6400xf32>
    %logistic3A = arith.negf %add3A : vector<64x6400xf32>
    %logistic3A_37 = math.exp %logistic3A : vector<64x6400xf32>
    %logistic3A_38 = arith.constant 1.000000e+00 : f32
    %logistic3A_39 = vector.broadcast %logistic3A_38 : f32 to vector<64x6400xf32>
    %logistic3A_40 = arith.addf %logistic3A_39, %logistic3A_37 : vector<64x6400xf32>
    %logistic3A_41 = arith.divf %logistic3A_39, %logistic3A_40 : vector<64x6400xf32>
    %mul3A_42 = arith.mulf %add3A, %logistic3A_41 : vector<64x6400xf32>
    %get3A_43 = arith.constant 0 : index
    %get3A_44 = arith.constant 0 : index
    %get3A_45 = vector.load %arg10[%get3A_43, %get3A_44] : memref<64x64xf32, #tpu.memory_space<vmem>>, vector<64x64xf32>
    %dot_general3A_46 = arith.constant dense<0.000000e+00> : vector<64x6400xf32>
    %dot_general3A_47 = tpu.matmul %get3A_45, %mul3A_42, %dot_general3A_46 {dimension_numbers = #tpu.dot_dimension_numbers<[1], [0], [0], [1], [0, 0, 1, 1], [], []>, transpose_lhs_hint = false} : vector<64x64xf32>, vector<64x6400xf32>, vector<64x6400xf32> -> vector<64x6400xf32>
    %logistic3A_48 = arith.negf %dot_general3A_47 : vector<64x6400xf32>
    %logistic3A_49 = math.exp %logistic3A_48 : vector<64x6400xf32>
    %logistic3A_50 = arith.constant 1.000000e+00 : f32
    %logistic3A_51 = vector.broadcast %logistic3A_50 : f32 to vector<64x6400xf32>
    %logistic3A_52 = arith.addf %logistic3A_51, %logistic3A_49 : vector<64x6400xf32>
    %logistic3A_53 = arith.divf %logistic3A_51, %logistic3A_52 : vector<64x6400xf32>
    %mul3A_54 = arith.mulf %dot_general3A_47, %logistic3A_53 : vector<64x6400xf32>
    %get3A_55 = arith.constant 0 : index
    %get3A_56 = arith.constant 0 : index
    %get3A_57 = vector.load %arg11[%get3A_55, %get3A_56] : memref<64x64xf32, #tpu.memory_space<vmem>>, vector<64x64xf32>
    %dot_general3A_58 = arith.constant dense<0.000000e+00> : vector<64x6400xf32>
    %dot_general3A_59 = tpu.matmul %get3A_57, %mul3A_54, %dot_general3A_58 {dimension_numbers = #tpu.dot_dimension_numbers<[1], [0], [0], [1], [0, 0, 1, 1], [], []>, transpose_lhs_hint = false} : vector<64x64xf32>, vector<64x6400xf32>, vector<64x6400xf32> -> vector<64x6400xf32>
    %get3A_60 = arith.constant 0 : index
    %get3A_61 = arith.constant 0 : index
    %get3A_62 = vector.load %arg4[%get3A_60, %get3A_61] : memref<3x6400xf32, #tpu.memory_space<vmem>>, vector<3x6400xf32>
    %mul3A_63 = arith.mulf %get3A_62, %get3A_62 : vector<3x6400xf32>
    %reduce_sum3A = arith.constant dense<0.000000e+00> : vector<6400xf32>
    %reduce_sum3A_64 = vector.multi_reduction <add>, %mul3A_63, %reduce_sum3A [0] : vector<3x6400xf32> to vector<6400xf32>
    %broadcast_in_dim3A = vector.shape_cast %reduce_sum3A_64 : vector<6400xf32> to vector<1x6400xf32>
    %mul3A_65 = arith.mulf %broadcast_in_dim3A, %broadcast_in_dim3A : vector<1x6400xf32>
    %mul3A_66 = arith.mulf %mul3A_65, %broadcast_in_dim3A : vector<1x6400xf32>
    %sqrt3A = math.sqrt %broadcast_in_dim3A : vector<1x6400xf32>
    %lt3A = arith.constant 1.000000e+00 : f32
    %lt3A_67 = vector.broadcast %lt3A : f32 to vector<1x6400xf32>
    %lt3A_68 = arith.cmpf olt, %broadcast_in_dim3A, %lt3A_67 : vector<1x6400xf32>
    %mul3A_69 = arith.constant 4.800000e+01 : f32
    %mul3A_70 = vector.broadcast %mul3A_69 : f32 to vector<1x6400xf32>
    %mul3A_71 = arith.mulf %mul3A_70, %sqrt3A : vector<1x6400xf32>
    %sub3A = arith.constant 2.800000e+01 : f32
    %sub3A_72 = vector.broadcast %sub3A : f32 to vector<1x6400xf32>
    %sub3A_73 = arith.subf %sub3A_72, %mul3A_71 : vector<1x6400xf32>
    %mul3A_74 = arith.constant 2.100000e+01 : f32
    %mul3A_75 = vector.broadcast %mul3A_74 : f32 to vector<1x6400xf32>
    %mul3A_76 = arith.mulf %mul3A_75, %broadcast_in_dim3A : vector<1x6400xf32>
    %add3A_77 = arith.addf %sub3A_73, %mul3A_76 : vector<1x6400xf32>
    %mul3A_78 = arith.mulf %mul3A_66, %add3A_77 : vector<1x6400xf32>
    %sub3A_79 = arith.constant 1.000000e+00 : f32
    %sub3A_80 = vector.broadcast %sub3A_79 : f32 to vector<1x6400xf32>
    %sub3A_81 = arith.subf %sub3A_80, %mul3A_78 : vector<1x6400xf32>
    %jit3A = arith.constant 0.000000e+00 : f32
    %broadcast_in_dim3A_82 = vector.broadcast %jit3A : f32 to vector<1x6400xf32>
    %select_n3A = arith.select %lt3A_68, %sub3A_81, %broadcast_in_dim3A_82 : vector<1x6400xi1>, vector<1x6400xf32>
    %mul3A_83 = vector.broadcast %select_n3A : vector<1x6400xf32> to vector<64x6400xf32>
    %mul3A_84 = arith.mulf %mul3A_83, %dot_general3A_59 : vector<64x6400xf32>
    %swap3A_85 = arith.constant 0 : index
    %swap3A_86 = arith.constant 0 : index
    %swap3A_87 = vector.load %arg12[%swap3A_85, %swap3A_86] : memref<64x6400xf32, #tpu.memory_space<vmem>>, vector<64x6400xf32>
    tpu.vector_store %arg12[%swap3A_85, %swap3A_86], %mul3A_84 {strides = array<i32>} : memref<64x6400xf32, #tpu.memory_space<vmem>>, vector<64x6400xf32>,
    return
  }
  func.func @transform_0(%arg0: i32) -> (i32, i32) {
    %c0_i32 = arith.constant 0 : i32
    %c0_i32_0 = arith.constant 0 : i32
    return %c0_i32, %arg0 : i32, i32
  }
  func.func @transform_1(%arg0: i32) -> (i32, i32) {
    %c0_i32 = arith.constant 0 : i32
    %c0_i32_0 = arith.constant 0 : i32
    return %c0_i32, %arg0 : i32, i32
  }
  func.func @transform_2(%arg0: i32) -> (i32, i32) {
    %c0_i32 = arith.constant 0 : i32
    %c0_i32_0 = arith.constant 0 : i32
    return %arg0, %c0_i32 : i32, i32
  }
  func.func @transform_3(%arg0: i32) -> (i32, i32) {
    %c0_i32 = arith.constant 0 : i32
    %c0_i32_0 = arith.constant 0 : i32
    return %c0_i32, %arg0 : i32, i32
  }
  func.func @transform_4(%arg0: i32) -> (i32, i32) {
    %c0_i32 = arith.constant 0 : i32
    %c0_i32_0 = arith.constant 0 : i32
    %c0_i32_1 = arith.constant 0 : i32
    return %c0_i32, %c0_i32_0 : i32, i32
  }
  func.func @transform_5(%arg0: i32) -> (i32, i32) {
    %c0_i32 = arith.constant 0 : i32
    %c0_i32_0 = arith.constant 0 : i32
    %c0_i32_1 = arith.constant 0 : i32
    return %c0_i32, %c0_i32_0 : i32, i32
  }
  func.func @transform_6(%arg0: i32) -> (i32, i32) {
    %c0_i32 = arith.constant 0 : i32
    %c0_i32_0 = arith.constant 0 : i32
    %c0_i32_1 = arith.constant 0 : i32
    return %c0_i32, %c0_i32_0 : i32, i32
  }
  func.func @transform_7(%arg0: i32) -> (i32, i32) {
    %c0_i32 = arith.constant 0 : i32
    %c0_i32_0 = arith.constant 0 : i32
    %c0_i32_1 = arith.constant 0 : i32
    return %c0_i32, %c0_i32_0 : i32, i32
  }
  func.func @transform_8(%arg0: i32) -> (i32, i32) {
    %c0_i32 = arith.constant 0 : i32
    %c0_i32_0 = arith.constant 0 : i32
    %c0_i32_1 = arith.constant 0 : i32
    return %c0_i32, %c0_i32_0 : i32, i32
  }
  func.func @transform_9(%arg0: i32) -> (i32, i32) {
    %c0_i32 = arith.constant 0 : i32
    %c0_i32_0 = arith.constant 0 : i32
    %c0_i32_1 = arith.constant 0 : i32
    return %c0_i32, %c0_i32_0 : i32, i32
  }
  func.func @transform_10(%arg0: i32) -> (i32, i32) {
    %c0_i32 = arith.constant 0 : i32
    %c0_i32_0 = arith.constant 0 : i32
    %c0_i32_1 = arith.constant 0 : i32
    return %c0_i32, %c0_i32_0 : i32, i32
  }
  func.func @transform_11(%arg0: i32) -> (i32, i32) {
    %c0_i32 = arith.constant 0 : i32
    %c0_i32_0 = arith.constant 0 : i32
    return %c0_i32, %arg0 : i32, i32
  }
  func.func @transform_12(%arg0: i32) -> (i32, i32) {
    %c0_i32 = arith.constant 0 : i32
    %c0_i32_0 = arith.constant 0 : i32
    return %c0_i32, %arg0 : i32, i32
  }
}

</mosaic_0001>

<sc_bundles>
// kernel: gather_offload_async_start
scs
__scs_entry_jumppad:
0x0: {  	(pc) =	sbr.rel $0x88, $3  }
0x1: {  	(tag) =	ssettag $0x0;
	lr =	simm.s32 $0x1  }
0x2: {  	[smem:$0x3F98] =	sst lr;
	_ =	strace $0xD0000000  }
0x3: {  	_ = 	snop  }
0x4: {  	_ = 	snop  }
0x5: {  	_ = 	snop  }
0x6: {  	_ = 	snop  }
0x7: {  	_ = 	snop  }
__scs_overlays_trampoline_lowered:
0x8: {  	[smem:$0x3FA7] =	sst s0  }
0x9: {  	[smem:$0x3FA8] =	sst s1  }
0xa: {  	[smem:$0x3FA9] =	sst s2  }
0xb: {  	[smem:$0x3FAA] =	sst s3  }
0xc: {  	[smem:$0x3FAB] =	sst s4  }
0xd: {  	[smem:$0x3FAC] =	sst s5  }
0xe: {  	[smem:$0x3FAD] =	sst s6  }
0xf: {  	[smem:$0x3FAE] =	sst s7  }
0x10: {  	[smem:$0x3FAF] =	sst s8  }
0x11: {  	[smem:$0x3FB0] =	sst s9;
	s0 =	simm.s32 @!p0 $0x0  }
0x12: {  	s1 =	sld [smem:$0x3F96];
	s0 =	simm.s32 @p0 $0x1  }
0x13: {  	[smem:$0x3FB1] =	sst s0;
	s0 =	simm.s32 @!p1 $0x0  }
0x14: {  	s2 =	sld [smem:$0x3F95];
	s0 =	simm.s32 @p1 $0x1  }
0x15: {  	[smem:$0x3FB2] =	sst s0;
	s0 =	simm.s32 @!p2 $0x0  }
0x16: {  	s3 =	sld [smem:$0x3FDB];
	s0 =	simm.s32 @p2 $0x1  }
0x17: {  	s4 =	simm.s32 $0x1BF5;
	[smem:$0x3FB4] =	sst s0  }
0x18: {  	s0 =	sld [smem:$0x3F97];
	_ =	swait.ge [sflag:s4], $0x0  }
0x19: {  	s7 =	sld [smem:$0x3F98]  }
0x1a: {  	s8 =	sadd.s32 $0xFFFFE003, lr  }
0x1b: {  	s9 =	sadd.s32 $0xFFFFFEF7, lr;
	s5 =	simm.s32 $0xFFFFFFFF;
	p2 =	slt.u32 s8, $0xFFFFF086  }
0x1c: {  	p1 =	slt.u32 s9, $0xF7A;
	s5 =	simm.s32 @!p2 $0x0  }
0x1d: {  	s5 =	simm.s32 @p1 $0x1;
	p0 =	seq.s32 s7, s2  }
0x1e: {  	s7 =	smul.u32 @!p0 $0xF7A, s2;
	p2 =	seq.s32 @!p0 s5, $0x0  }
0x1f: {  	s9 =	smul.u32 $0xF7A, s1;
	s8 =	simm.s32 @!p0 $0x1BF5;
	p2 =	por !p2, p0  }
0x20: {  	[sflag:s8] =	ssyncset.s32 @!p0 $0xFFFFF086;
	s6 =	sadd.s32 @!p0 s3, s7;
	s7 =	simm.s32 @!p0 $0x108  }
0x21: {  	s3 =	sadd.s32 s3, s9;
	s6 =	sadd.s32 @!p0 $0x88, s6;
	s7 =	simm.s32 @p2 $0x1082  }
0x22: {  	[simem:s7], [sflag:s8] =	dma.local @!p0 [hbm:s6], $0xF7A  }
0x23: {  	s9 =	sor.u32 $0xD0000000, s2;
	s6 =	simm.s32 $0x108;
	_ =	swait.ge @!p0 [sflag:s8], $0x0  }
0x24: {  	s3 =	sadd.s32 $0x88, s3;
	s6 =	simm.s32 @!p1 $0x1082;
	[sflag:s4] =	ssyncset.s32 $0xFFFFF086  }
0x25: {  	[simem:s6], [sflag:s4] =	dma.local [hbm:s3], $0xF7A  }
0x26: {  	[smem:$0x3F98] =	sst s1;
	(tag) =	ssettag s2;
	_ =	strace s9  }
0x27: {  	s1 =	sld [smem:$0x3FA8]  }
0x28: {  	s2 =	sld [smem:$0x3FA9]  }
0x29: {  	s4 =	sld [smem:$0x3FAB]  }
0x2a: {  	p0 =	seq.s32 s5, $0x0;
	s5 =	sld [smem:$0x3FAC]  }
0x2b: {  	s6 =	sld [smem:$0x3FAD]  }
0x2c: {  	s7 =	sld [smem:$0x3FAE]  }
0x2d: {  	s3 =	simm.s32 $0x108;
	s8 =	sld [smem:$0x3FAF]  }
0x2e: {  	s3 =	simm.s32 @!p0 $0x1082;
	s9 =	sld [smem:$0x3FB0]  }
0x2f: {  	lr =	sadd.s32 s0, s3;
	s0 =	sld [smem:$0x3FA7]  }
0x30: {  	s3 =	sld [smem:$0x3FAA]  }
0x31: {  	[smem:$0x3FB3] =	sst s10  }
0x32: {  	s10 =	sld [smem:$0x3FB1];
	_ =	sdelay $0x3  }
0x33: {  	p0 =	seq.s32 s10, $0x1;
	s10 =	sld [smem:$0x3FB3];
	_ =	sdelay $0x3  }
0x34: {  	[smem:$0x3FB3] =	sst s10  }
0x35: {  	s10 =	sld [smem:$0x3FB2];
	_ =	sdelay $0x3  }
0x36: {  	p1 =	seq.s32 s10, $0x1;
	s10 =	sld [smem:$0x3FB3];
	_ =	sdelay $0x3  }
0x37: {  	[smem:$0x3FB3] =	sst s10  }
0x38: {  	s10 =	sld [smem:$0x3FB4]  }
0x39: {  	_ = 	snop;
	(pc) =	sbr.ind lr, $3  }
0x3a: {  	_ = 	snop  }
0x3b: {  	_ = 	snop  }
0x3c: {  	p2 =	seq.s32 s10, $0x1;
	s10 =	sld [smem:$0x3FB3]  }
0x3d: {  	_ =	shalt  }
0x3e: {  	_ =	shalt  }
0x3f: {  	_ =	shalt  }
0x40: {  	_ =	shalt  }
0x41: {  	_ =	shalt  }
0x42: {  	_ =	shalt  }
0x43: {  	_ =	shalt  }
0x44: {  	_ =	shalt  }
0x45: {  	_ =	shalt  }
0x46: {  	_ =	shalt  }
0x47: {  	_ =	shalt  }
0x48: {  	_ =	shalt  }
0x49: {  	_ =	shalt  }
0x4a: {  	_ =	shalt  }
0x4b: {  	_ =	shalt  }
0x4c: {  	_ =	shalt  }
0x4d: {  	_ =	shalt  }
0x4e: {  	_ =	shalt  }
0x4f: {  	_ =	shalt  }
0x50: {  	_ =	shalt  }
0x51: {  	_ =	shalt  }
0x52: {  	_ =	shalt  }
0x53: {  	_ =	shalt  }
0x54: {  	_ =	shalt  }
0x55: {  	_ =	shalt  }
0x56: {  	_ =	shalt  }
0x57: {  	_ =	shalt  }
0x58: {  	_ =	shalt  }
0x59: {  	_ =	shalt  }
0x5a: {  	_ =	shalt  }
0x5b: {  	_ =	shalt  }
0x5c: {  	_ =	shalt  }
0x5d: {  	_ =	shalt  }
0x5e: {  	_ =	shalt  }
0x5f: {  	_ =	shalt  }
0x60: {  	_ =	shalt  }
0x61: {  	_ =	shalt  }
0x62: {  	_ =	shalt  }
0x63: {  	_ =	shalt  }
0x64: {  	_ =	shalt  }
0x65: {  	_ =	shalt  }
0x66: {  	_ =	shalt  }
0x67: {  	_ =	shalt  }
0x68: {  	_ =	shalt  }
0x69: {  	_ =	shalt  }
0x6a: {  	_ =	shalt  }
0x6b: {  	_ =	shalt  }
0x6c: {  	_ =	shalt  }
0x6d: {  	_ =	shalt  }
0x6e: {  	_ =	shalt  }
0x6f: {  	_ =	shalt  }
0x70: {  	_ =	shalt  }
0x71: {  	_ =	shalt  }
0x72: {  	_ =	shalt  }
0x73: {  	_ =	shalt  }
0x74: {  	_ =	shalt  }
0x75: {  	_ =	shalt  }
0x76: {  	_ =	shalt  }
0x77: {  	_ =	shalt  }
0x78: {  	_ =	shalt  }
0x79: {  	_ =	shalt  }
0x7a: {  	_ =	shalt  }
0x7b: {  	_ =	shalt  }
0x7c: {  	_ =	shalt  }
0x7d: {  	_ =	shalt  }
0x7e: {  	_ =	shalt  }
0x7f: {  	_ =	shalt  }
0x80: {  	_ =	shalt  }
0x81: {  	_ =	shalt  }
0x82: {  	_ =	shalt  }
0x83: {  	_ =	shalt  }
0x84: {  	_ =	shalt  }
0x85: {  	_ =	shalt  }
0x86: {  	_ =	shalt  }
0x87: {  	_ =	shalt  }
.Lfunc_end0:
.L_simem_size_0:
called_computation_lowered:
.L_overlay_start_0:
0x88: {  	s2 =	sld [smem:$0x3FD9]  }
0x89: {  	s3 =	sld [smem:$0x3FFE];
	_ =	sdelay $0x1  }
0x8a: {  	s1 =	srdreg.scid  }
0x8b: {  	s0 =	sand.u32 $0x1, s1  }
0x8c: {  	s14 =	sshll.u32 s0, $0xA;
	s2 =	sadd.s32 s3, s2  }
0x8d: {  	s2 =	sadd.s32 s2, s14  }
0x8e: {  	[smem:$0x3FBF] =	sst s2  }
0x8f: {  	_ = 	snop  }
0x90: {  	s2 =	sld [smem:$0x3FD0];
	_ =	sdelay $0x2  }
0x91: {  	s4 =	simm.s32 $0xA;
	s5 =	simm.s32 $0x10;
	s15 =	sld [smem:$0x3FC6]  }
0x92: {  	[smem:s5], [sflag:s4] =	dma.local [hbm:s2], $0x1  }
0x93: {  	_ =	swait.eq [sflag:s4], $0x1  }
0x94: {  	[sflag:s4] =	ssyncset.done $0x0  }
0x95: {  	[sflag:s4] =	ssyncadd.s32 $0xFFFFFFFF  }
0x96: {  	s16 =	sld [smem:$0x11];
	(tm) =	ssettm $0x1  }
0x97: {  	s17 =	sld [smem:$0x3FFB];
	_ =	sdelay $0x3  }
0x98: {  	_ =	strace s17  }
0x99: {  	s4 =	sld [smem:$0x3FFC];
	_ =	sdelay $0x3  }
0x9a: {  	_ =	strace s4  }
0x9b: {  	s4 =	sld [smem:$0x3FFD];
	_ =	sdelay $0x3  }
0x9c: {  	_ =	strace s4  }
0x9d: {  	_ =	strace $0x8FFFFFFF  }
0x9e: {  	s18 =	sld [smem:$0x3FDB];
	_ =	sdelay $0x1  }
0x9f: {  	s19 =	simm.s32 $_scs_section_size  }
0xa0: {  	s6 =	simm.s32 $_size__tile_overlayer_lowered;
	s7 =	simm.s32 $_tile_overlayer_lowered  }
0xa1: {  	s22 =	simm.s32 $0x1BFF;
	s21 =	sshll.u32 s7, $0x1;
	s4 =	sadd.s32 s19, s18  }
0xa2: {  	s8 =	simm.s32 $0x0;
	s20 =	sshll.u32 s6, $0x1;
	s6 =	sadd.s32 s21, s4  }
0xa3: {  	[timem:s8], [sflag:s22] =	dma.local [hbm:s6], s20  }
0xa4: {  	_ =	swait.ge [sflag:s22], s20  }
0xa5: {  	s5 =	ssub.s32 $0x0, s20;
	[sflag:s22] =	ssyncset.done $0x0  }
0xa6: {  	[sflag:s22] =	ssyncadd.s32 s5;
	_ =	sdelay $0x1  }
0xa7: {  	s23 =	simm.s32 $0x1B8B  }
0xa8: {  	_ =	swait.ge [sflag:s23], $0x1  }
0xa9: {  	[sflag:s23] =	ssyncset.done $0x0  }
0xaa: {  	s25 =	simm.s32 $0x1B8E;
	s24 =	sld [smem:$0x3FFE];
	[sflag:s23] =	ssyncadd.s32 $0xFFFFFFFF  }
0xab: {  	s26 =	simm.s32 $execute0_lowered;
	[smem:$0x3FD2] =	sst s25  }
0xac: {  	s6 =	sshll.u32 s26, $0x1;
	_ =	strace $0x80000046;
	[dreg:$0x1] =	wrdreg $0xFFFFFFFF  }
0xad: {  	s28 =	simm.s32 $_size_execute0_lowered;
	s4 =	sadd.s32 s4, s6;
	[dreg:$0x0] =	wrdreg $0x0  }
0xae: {  	s6 =	sshll.u32 s28, $0x1;
	[dreg:$0x2] =	wrdreg s4  }
0xaf: {  	[dreg:$0x3] =	wrdreg s6  }
0xb0: {  	[dreg:$0x4] =	wrdreg $0xC0  }
0xb1: {  	_ =	task [dreg:s8], $0x5FFFF  }
0xb2: {  	[dreg:$0x1] =	wrdreg $0xFFFFFFFF  }
0xb3: {  	[dreg:$0x0] =	wrdreg $0x60  }
0xb4: {  	[dreg:$0x2] =	wrdreg s15  }
0xb5: {  	[dreg:$0x3] =	wrdreg s16  }
0xb6: {  	[dreg:$0x4] =	wrdreg s24  }
0xb7: {  	[dreg:$0x5] =	wrdreg $0x9  }
0xb8: {  	_ =	task.clear_ibuf [dreg:s8], $0x6FFFF;
	_ =	strace $0x90000046  }
0xb9: {  	s29 =	simm.s32 $0x9;
	_ =	strace $0x80000048  }
0xba: {  	_ =	swait.ge [sflag:s29], $0x1  }
0xbb: {  	[sflag:s29] =	ssyncadd.s32 $0xFFFFFFFF  }
0xbc: {  	_ =	strace $0x90000048  }
0xbd: {  	_ =	sfence  }
0xbe: {  	s30 =	sld [smem:$0x0];
	_ =	sdelay $0x2  }
0xbf: {  	s31 =	sshll.u32 s1, $0xD;
	s1 =	sshrl.u32 s1, $0x2  }
0xc0: {  	s3 =	sand.u32 $0x4000, s31;
	s1 =	sadd.s32 s1, s30  }
0xc1: {  	s0 =	sor.u32 s3, s0;
	s1 =	sshll.u32 s1, $0x11  }
0xc2: {  	s0 =	sor.u32 s1, s0  }
0xc3: {  	s0 =	sadd.s32 $0x8F2B, s0  }
0xc4: {  	[sflag:s0] =	ssyncadd.remote.s32 $0x1  }
0xc5: {  	_ =	sfence.sel $0xFFFF  }
0xc6: {  	[dreg:$0x0] =	wrdreg $0xFFFFFFFF;
	(pc) =	sbr.abs _section_cstart, $3  }
0xc7: {  	[dreg:$0x1] =	wrdreg $0xFFFFFFFF  }
0xc8: {  	_ =	task.clear_ibuf [dreg:s8], $0x2FFFF;
	_ =	strace $0x9FFFFFFF  }
0xc9: {  	(tm) =	ssettm $0x7FFFFFFF  }
tec
execute0_lowered:
.L_overlay_start_1:
0x0: {  	(tag) =	ssettag $0x1  }
0x1: {  	s2 =	rddreg [dreg:$0x0]  }
0x2: {  	s3 =	rddreg [dreg:$0x1]  }
0x3: {  	s0 =	stileid.u32;
	s1 =	srdreg.scid  }
0x4: {  	s8 =	rddreg [dreg:$0x2];
	s9 =	simm.s32 $0x1;
	s10 =	simm.s32 $0x3  }
0x5: {  	s13 =	simm.s32 $0x0;
	s4 =	sand.u32 $0x1, s1;
	s5 =	sshll.u32 s0, $0x1  }
0x6: {  	s12 =	simm.s32 $0x0;
	s1 =	rddreg [dreg:$0x3];
	s6 =	sor.u32 s5, s4  }
0x7: {  	_ =	strace $0x80000047;
	s8 =	sadd.s32 $0x2800, s8;
	s4 =	smul.u32 $0x4E20, s6  }
0x8: {  	s5 =	simm.s32 $0x1;
	p0 =	slt.u32 s6, $0x9;
	s6 =	simm.s32 $0x9C400  }
.Ltmp0:
0x9: {  	s6 =	simm.s32 @!p0 $0x0;
	s7 =	ssub.s32 $0xC3500, s4;
	(pc) =	sbr.rel .LBB2_1-.Ltmp0, $4  }
0xa: {  	s9 =	simm.s32 @!p0 $0x0;
	p0 =	sne.s32 s7, s6;
	s7 =	simm.s32 $0x1  }
0xb: {  	[sflag:s5] =	ssyncpa.u1 $0x0;
	s6 =	simm.s32 $0x2;
	s7 =	simm.s32 @!p0 $0x0  }
0xc: {  	s11 =	smov.u32 s4;
	[sflag:s6] =	ssyncpa.u1 $0x0;
	s7 =	sadd.s32 s9, s7  }
0xd: {  	vm0 =	vmmov $0xffff;
	[sflag:s10] =	ssyncpa.u1 $0x0;
	s10 =	simm.s32 $0x0;
	s9 =	sadd.s32 $0x1, s7  }
.LBB2_4:
0xe: {  	v2 =	vnsel vm1, $0x0, v2  }
0xf: {  	vm1 =	vgt.s32 v0, $0x0;
	v2 =	vmin.u32 v2, $0xC34FF  }
0x10: {  	v0 =	vnsel vm1, $0x0, v0  }
0x11: {  	v0 =	vmin.u32 v0, $0xC34FF  }
0x12: {  	[tilespmem:s18], [sflag:$0x1] =	stream.indirect_vreg.gather [hbm4b:s2+s10], $0x1, v1, vm0, $0x4038;
	[tilespmem:$0x13880] =	vst v63  }
0x13: {  	(ifvalue) =	ssetifvalue $0x7FFFFFFF  }
0x14: {  	[tilespmem:s15], [sflag:$0x1] =	stream.indirect_vreg.gather [hbm4b:s2+s10], $0x1, v2, vm0, $0x4038;
	[tilespmem:$0x13880] =	vst v63  }
0x15: {  	s29 =	sadd.s32 $0x10, s15;
	(ifvalue) =	ssetifvalue $0x7FFFFFFF  }
0x16: {  	[tilespmem:s29], [sflag:$0x1] =	stream.indirect_vreg.gather [hbm4b:s2+s10], $0x1, v0, vm0, $0x4038;
	[tilespmem:$0x13880] =	vst v63  }
0x17: {  	_ =	swait.ge [sflag:s5], $0x4E20  }
0x18: {  	s30 =	sshrl.u32 s13, $0x3;
	[sflag:s5] =	ssyncset.done $0x0  }
0x19: {  	s31 =	sand.u32 $0x7, s13;
	s15 =	sadd.s32 s8, s30;
	[sflag:s5] =	ssyncadd.s32 $0xFFFFB1E0  }
0x1a: {  	[hbm4b:s15+s31] =	stream.linear.scatter [tilespmem:s14], [sflag:$0x3], $0x4E20, $0x38;
	[tilespmem:$0x13880] =	vst v63  }
.LBB2_5:
0x1b: {  	s15 =	sadd.s32 $0x9C400, s11  }
0x1c: {  	p1 =	sgt.s32 s15, $0xC34FF  }
0x1d: {  	s15 =	smov.u32 @p1 s4;
	p1 =	sne.s32 s12, s9  }
.Ltmp1:
0x1e: {  	p0 =	slt.u32 s12, $0x2;
	(pc) =	sbr.rel @!p1 .LBB2_6-.Ltmp1, $4  }
0x1f: {  	s14 =	simm.s32 @!p0 $0x3  }
0x20: {  	_ =	swait.ge @!p0 [sflag:s14], $0x4E20  }
0x21: {  	s16 =	sadd.s32 $0x1, s12;
	s13 =	smov.u32 s11;
	[sflag:s14] =	ssyncset.done @!p0 $0x0  }
0x22: {  	s12 =	smov.u32 s16;
	s11 =	smov.u32 s15;
	[sflag:s14] =	ssyncadd.s32 @!p0 $0xFFFFB1E0  }
.LBB2_1:
0x23: {  	p0 =	sge.u32 s12, s7  }
0x24: {  	s14 =	sxor.u32 @!p0 $0x1, s12  }
0x25: {  	s14 =	smul.u32 @!p0 $0x13880, s14  }
0x26: {  	s31 =	sadd.s32 $0xFFFFFFFF, s12;
	s15 =	sshrl.u32 @!p0 s11, $0x3  }
0x27: {  	s16 =	sand.u32 @!p0 $0x7, s11;
	s15 =	sadd.s32 @!p0 s3, s15;
	s14 =	sshra.s32 @!p0 s14, $0x2  }
0x28: {  	[tilespmem:s14], [sflag:$0x2] =	stream.linear.gather @!p0 [hbm4b:s15+s16], $0x4E20, $0x38;
	[tilespmem:$0x13880] =	vst v63  }
0x29: {  	p0 =	sge.u32 s31, s7  }
.Ltmp2:
0x2a: {  	_ = 	snop;
	(pc) =	sbr.rel @p0 .LBB2_5-.Ltmp2, $1  }
0x2b: {  	_ =	sdelay $0x3  }
0x2c: {  	s14 =	sand.u32 $0x1, s12  }
0x2d: {  	_ =	swait.ge [sflag:s6], $0x4E20;
	p0 =	seq.s32 s14, $0x1;
	s14 =	simm.s32 $0x4E20  }
0x2e: {  	[sflag:s6] =	ssyncset.done $0x0;
	s14 =	simm.s32 @!p0 $0x0  }
0x2f: {  	[sflag:s6] =	ssyncadd.s32 $0xFFFFB1E0;
	(ifvalue) =	ssetifvalue $0x7FFFFFFF;
	v0 =	vld.msk [tilespmem:s14+$0x0 ss:$0x1], $0xffff;
	_ =	sdelay $0x4  }
0x30: {  	s15 =	sadd.s32 $0x10, s14;
	vm1 =	vgt.s32 v0, $0x0  }
0x31: {  	v2 =	vld.msk [tilespmem:s15+$0x0 ss:$0x1], $0xffff;
	v1 =	vnsel vm1, $0x0, v0  }
0x32: {  	v1 =	vmin.u32 v1, $0xC34FF;
	_ =	sdelay $0x2  }
0x33: {  	s17 =	simm.s32 $0x20;
	s14 =	sadd.s32 $0x9C40, s14;
	s16 =	sadd.s32 $0x10, s15  }
0x34: {  	s15 =	sadd.s32 $0x10, s14;
	s18 =	smov.u32 s14;
	v0 =	vld.msk [tilespmem:s16+$0x0 ss:$0x1], $0xffff;
	vm1 =	vgt.s32 v2, $0x0;
	(ifvalue) =	ssetifvalue $0x7FFFFFFF  }
.LBB2_3:
0x35: {  	[tilespmem:s18], [sflag:$0x1] =	stream.indirect_vreg.gather [hbm4b:s2+s10], $0x1, v1, vm0, $0x4038;
	[tilespmem:$0x13880] =	vst v63  }
0x36: {  	s17 =	sadd.s32 $0x10, s17  }
0x37: {  	v2 =	vnsel vm1, $0x0, v2;
	p0 =	slt.u32 s17, $0x4E10  }
.Ltmp3:
0x38: {  	s18 =	smov.u32 s15;
	v1 =	vmin.u32 v2, $0xC34FF;
	(pc) =	sbr.rel @p0 .LBB2_3-.Ltmp3, $3  }
0x39: {  	_ =	sdelay $0x1  }
0x3a: {  	s16 =	sadd.s32 $0x10, s16  }
0x3b: {  	vm1 =	vgt.s32 v0, $0x0;
	s15 =	sadd.s32 $0x10, s15;
	v2 =	vmov v0;
	(ifvalue) =	ssetifvalue $0x7FFFFFFF;
	v0 =	vld.msk [tilespmem:s16+$0x0 ss:$0x1], $0xffff  }
.Ltmp4:
0x3c: {  	_ = 	snop;
	(pc) =	sbr.rel .LBB2_4-.Ltmp4, $1  }
0x3d: {  	_ =	sdelay $0x3  }
.LBB2_6:
0x3e: {  	_ =	sfence.sel $0x180000  }
0x3f: {  	s2 =	simm.s32 $0x2;
	[bflag:$0x0] =	sbarrier.arrive $0xFFFF  }
0x40: {  	s30 =	simm.s32 $0x3;
	[sflag:s2] =	ssyncpa.u1 $0x1  }
0x41: {  	s31 =	simm.s32 $0x1;
	[sflag:s30] =	ssyncpa.u1 $0x1  }
0x42: {  	[sflag:s31] =	ssyncpa.u1 $0x1  }
0x43: {  	p0 =	sne.s32 s0, $0x0;
	_ =	strace $0x90000047  }
0x44: {  	s0 =	sadd.s32 @!p0 $0x100000, s1;
	[bflag:$0x2] =	sbarrier.arrive $0xFFFF  }
0x45: {  	[sflag:s0] =	ssyncadd.tile.s32 @!p0 $0x1;
	_ =	shalt  }
.Lfunc_end2:
_tile_overlayer_lowered:
.L_overlay_start_2:
0x46: {  	(tag) =	ssettag $0x2  }
0x47: {  	s0 =	rddreg [dreg:$0x0];
	s2 =	stileid.u32  }
0x48: {  	s1 =	rddreg [dreg:$0x1];
	p0 =	sne.s32 s2, $0x0  }
0x49: {  	s3 =	rddreg [dreg:$0x2];
	[bflag:$0x3] =	sbarrier.arrive $0xFFFF;
	s2 =	simm.s32 @!p0 $0x1C01  }
0x4a: {  	[timem:s3], [sflag:s2] =	dma.local @!p0 [hbm:s0], s1  }
0x4b: {  	s0 =	simm.s32 @!p0 $0x1  }
0x4c: {  	_ =	swait.ge @!p0 [sflag:s0], s1  }
0x4d: {  	s1 =	ssub.s32 @!p0 $0x0, s1;
	[sflag:s0] =	ssyncset.done @!p0 $0x0  }
0x4e: {  	[sflag:s0] =	ssyncadd.s32 @!p0 s1  }
0x4f: {  	[bflag:$0x3] =	sbarrier.arrive $0xFFFF  }
0x50: {  	_ =	shalt  }

// kernel: kernel.5.cloned.1.call-start
scs
__scs_entry_jumppad:
0x0: {  	(pc) =	sbr.rel $0x88, $3  }
0x1: {  	(tag) =	ssettag $0x0;
	lr =	simm.s32 $0x1  }
0x2: {  	[smem:$0x3F98] =	sst lr;
	_ =	strace $0xD0000000  }
0x3: {  	_ = 	snop  }
0x4: {  	_ = 	snop  }
0x5: {  	_ = 	snop  }
0x6: {  	_ = 	snop  }
0x7: {  	_ = 	snop  }
__scs_overlays_trampoline_lowered:
0x8: {  	[smem:$0x3FA7] =	sst s0  }
0x9: {  	[smem:$0x3FA8] =	sst s1  }
0xa: {  	[smem:$0x3FA9] =	sst s2  }
0xb: {  	[smem:$0x3FAA] =	sst s3  }
0xc: {  	[smem:$0x3FAB] =	sst s4  }
0xd: {  	[smem:$0x3FAC] =	sst s5  }
0xe: {  	[smem:$0x3FAD] =	sst s6  }
0xf: {  	[smem:$0x3FAE] =	sst s7  }
0x10: {  	[smem:$0x3FAF] =	sst s8  }
0x11: {  	[smem:$0x3FB0] =	sst s9;
	s0 =	simm.s32 @!p0 $0x0  }
0x12: {  	s1 =	sld [smem:$0x3F96];
	s0 =	simm.s32 @p0 $0x1  }
0x13: {  	[smem:$0x3FB1] =	sst s0;
	s0 =	simm.s32 @!p1 $0x0  }
0x14: {  	s2 =	sld [smem:$0x3F95];
	s0 =	simm.s32 @p1 $0x1  }
0x15: {  	[smem:$0x3FB2] =	sst s0;
	s0 =	simm.s32 @!p2 $0x0  }
0x16: {  	s3 =	sld [smem:$0x3FDB];
	s0 =	simm.s32 @p2 $0x1  }
0x17: {  	s4 =	simm.s32 $0x1BF5;
	[smem:$0x3FB4] =	sst s0  }
0x18: {  	s0 =	sld [smem:$0x3F97];
	_ =	swait.ge [sflag:s4], $0x0  }
0x19: {  	s7 =	sld [smem:$0x3F98]  }
0x1a: {  	s8 =	sadd.s32 $0xFFFFE003, lr  }
0x1b: {  	s9 =	sadd.s32 $0xFFFFFEF7, lr;
	s5 =	simm.s32 $0xFFFFFFFF;
	p2 =	slt.u32 s8, $0xFFFFF086  }
0x1c: {  	p1 =	slt.u32 s9, $0xF7A;
	s5 =	simm.s32 @!p2 $0x0  }
0x1d: {  	s5 =	simm.s32 @p1 $0x1;
	p0 =	seq.s32 s7, s2  }
0x1e: {  	s7 =	smul.u32 @!p0 $0xF7A, s2;
	p2 =	seq.s32 @!p0 s5, $0x0  }
0x1f: {  	s9 =	smul.u32 $0xF7A, s1;
	s8 =	simm.s32 @!p0 $0x1BF5;
	p2 =	por !p2, p0  }
0x20: {  	[sflag:s8] =	ssyncset.s32 @!p0 $0xFFFFF086;
	s6 =	sadd.s32 @!p0 s3, s7;
	s7 =	simm.s32 @!p0 $0x108  }
0x21: {  	s3 =	sadd.s32 s3, s9;
	s6 =	sadd.s32 @!p0 $0x88, s6;
	s7 =	simm.s32 @p2 $0x1082  }
0x22: {  	[simem:s7], [sflag:s8] =	dma.local @!p0 [hbm:s6], $0xF7A  }
0x23: {  	s9 =	sor.u32 $0xD0000000, s2;
	s6 =	simm.s32 $0x108;
	_ =	swait.ge @!p0 [sflag:s8], $0x0  }
0x24: {  	s3 =	sadd.s32 $0x88, s3;
	s6 =	simm.s32 @!p1 $0x1082;
	[sflag:s4] =	ssyncset.s32 $0xFFFFF086  }
0x25: {  	[simem:s6], [sflag:s4] =	dma.local [hbm:s3], $0xF7A  }
0x26: {  	[smem:$0x3F98] =	sst s1;
	(tag) =	ssettag s2;
	_ =	strace s9  }
0x27: {  	s1 =	sld [smem:$0x3FA8]  }
0x28: {  	s2 =	sld [smem:$0x3FA9]  }
0x29: {  	s4 =	sld [smem:$0x3FAB]  }
0x2a: {  	p0 =	seq.s32 s5, $0x0;
	s5 =	sld [smem:$0x3FAC]  }
0x2b: {  	s6 =	sld [smem:$0x3FAD]  }
0x2c: {  	s7 =	sld [smem:$0x3FAE]  }
0x2d: {  	s3 =	simm.s32 $0x108;
	s8 =	sld [smem:$0x3FAF]  }
0x2e: {  	s3 =	simm.s32 @!p0 $0x1082;
	s9 =	sld [smem:$0x3FB0]  }
0x2f: {  	lr =	sadd.s32 s0, s3;
	s0 =	sld [smem:$0x3FA7]  }
0x30: {  	s3 =	sld [smem:$0x3FAA]  }
0x31: {  	[smem:$0x3FB3] =	sst s10  }
0x32: {  	s10 =	sld [smem:$0x3FB1];
	_ =	sdelay $0x3  }
0x33: {  	p0 =	seq.s32 s10, $0x1;
	s10 =	sld [smem:$0x3FB3];
	_ =	sdelay $0x3  }
0x34: {  	[smem:$0x3FB3] =	sst s10  }
0x35: {  	s10 =	sld [smem:$0x3FB2];
	_ =	sdelay $0x3  }
0x36: {  	p1 =	seq.s32 s10, $0x1;
	s10 =	sld [smem:$0x3FB3];
	_ =	sdelay $0x3  }
0x37: {  	[smem:$0x3FB3] =	sst s10  }
0x38: {  	s10 =	sld [smem:$0x3FB4]  }
0x39: {  	_ = 	snop;
	(pc) =	sbr.ind lr, $3  }
0x3a: {  	_ = 	snop  }
0x3b: {  	_ = 	snop  }
0x3c: {  	p2 =	seq.s32 s10, $0x1;
	s10 =	sld [smem:$0x3FB3]  }
0x3d: {  	_ =	shalt  }
0x3e: {  	_ =	shalt  }
0x3f: {  	_ =	shalt  }
0x40: {  	_ =	shalt  }
0x41: {  	_ =	shalt  }
0x42: {  	_ =	shalt  }
0x43: {  	_ =	shalt  }
0x44: {  	_ =	shalt  }
0x45: {  	_ =	shalt  }
0x46: {  	_ =	shalt  }
0x47: {  	_ =	shalt  }
0x48: {  	_ =	shalt  }
0x49: {  	_ =	shalt  }
0x4a: {  	_ =	shalt  }
0x4b: {  	_ =	shalt  }
0x4c: {  	_ =	shalt  }
0x4d: {  	_ =	shalt  }
0x4e: {  	_ =	shalt  }
0x4f: {  	_ =	shalt  }
0x50: {  	_ =	shalt  }
0x51: {  	_ =	shalt  }
0x52: {  	_ =	shalt  }
0x53: {  	_ =	shalt  }
0x54: {  	_ =	shalt  }
0x55: {  	_ =	shalt  }
0x56: {  	_ =	shalt  }
0x57: {  	_ =	shalt  }
0x58: {  	_ =	shalt  }
0x59: {  	_ =	shalt  }
0x5a: {  	_ =	shalt  }
0x5b: {  	_ =	shalt  }
0x5c: {  	_ =	shalt  }
0x5d: {  	_ =	shalt  }
0x5e: {  	_ =	shalt  }
0x5f: {  	_ =	shalt  }
0x60: {  	_ =	shalt  }
0x61: {  	_ =	shalt  }
0x62: {  	_ =	shalt  }
0x63: {  	_ =	shalt  }
0x64: {  	_ =	shalt  }
0x65: {  	_ =	shalt  }
0x66: {  	_ =	shalt  }
0x67: {  	_ =	shalt  }
0x68: {  	_ =	shalt  }
0x69: {  	_ =	shalt  }
0x6a: {  	_ =	shalt  }
0x6b: {  	_ =	shalt  }
0x6c: {  	_ =	shalt  }
0x6d: {  	_ =	shalt  }
0x6e: {  	_ =	shalt  }
0x6f: {  	_ =	shalt  }
0x70: {  	_ =	shalt  }
0x71: {  	_ =	shalt  }
0x72: {  	_ =	shalt  }
0x73: {  	_ =	shalt  }
0x74: {  	_ =	shalt  }
0x75: {  	_ =	shalt  }
0x76: {  	_ =	shalt  }
0x77: {  	_ =	shalt  }
0x78: {  	_ =	shalt  }
0x79: {  	_ =	shalt  }
0x7a: {  	_ =	shalt  }
0x7b: {  	_ =	shalt  }
0x7c: {  	_ =	shalt  }
0x7d: {  	_ =	shalt  }
0x7e: {  	_ =	shalt  }
0x7f: {  	_ =	shalt  }
0x80: {  	_ =	shalt  }
0x81: {  	_ =	shalt  }
0x82: {  	_ =	shalt  }
0x83: {  	_ =	shalt  }
0x84: {  	_ =	shalt  }
0x85: {  	_ =	shalt  }
0x86: {  	_ =	shalt  }
0x87: {  	_ =	shalt  }
.Lfunc_end0:
.L_simem_size_0:
called_computation.1_lowered:
.L_overlay_start_0:
0x88: {  	s2 =	sld [smem:$0x3FD9]  }
0x89: {  	s3 =	sld [smem:$0x3FFE];
	_ =	sdelay $0x1  }
0x8a: {  	s1 =	srdreg.scid  }
0x8b: {  	s0 =	sand.u32 $0x1, s1  }
0x8c: {  	s14 =	sshll.u32 s0, $0xA;
	s2 =	sadd.s32 s3, s2  }
0x8d: {  	s2 =	sadd.s32 s2, s14  }
0x8e: {  	[smem:$0x3FBF] =	sst s2  }
0x8f: {  	_ = 	snop  }
0x90: {  	s2 =	sld [smem:$0x3FD0];
	_ =	sdelay $0x2  }
0x91: {  	s15 =	simm.s32 $0xA;
	s4 =	simm.s32 $0x10  }
0x92: {  	[smem:s4], [sflag:s15] =	dma.local [hbm:s2], $0x1  }
0x93: {  	_ =	swait.eq [sflag:s15], $0x1  }
0x94: {  	[sflag:s15] =	ssyncset.done $0x0  }
0x95: {  	s16 =	sld [smem:$0x10];
	[sflag:s15] =	ssyncadd.s32 $0xFFFFFFFF  }
0x96: {  	s17 =	sld [smem:$0x11];
	(tm) =	ssettm $0x1  }
0x97: {  	s18 =	sld [smem:$0x3FFB];
	_ =	sdelay $0x3  }
0x98: {  	_ =	strace s18  }
0x99: {  	s4 =	sld [smem:$0x3FFC];
	_ =	sdelay $0x3  }
0x9a: {  	_ =	strace s4  }
0x9b: {  	s4 =	sld [smem:$0x3FFD];
	_ =	sdelay $0x3  }
0x9c: {  	_ =	strace s4  }
0x9d: {  	_ =	strace $0x8FFFFFFF  }
0x9e: {  	s19 =	sld [smem:$0x3FDB];
	_ =	sdelay $0x1  }
0x9f: {  	s5 =	simm.s32 $_scs_section_size  }
0xa0: {  	s6 =	simm.s32 $_size__tile_overlayer_lowered;
	s7 =	simm.s32 $_tile_overlayer_lowered  }
0xa1: {  	s22 =	simm.s32 $0x1BFF;
	s21 =	sshll.u32 s7, $0x1;
	s4 =	sadd.s32 s5, s19  }
0xa2: {  	s8 =	simm.s32 $0x0;
	s20 =	sshll.u32 s6, $0x1;
	s6 =	sadd.s32 s21, s4  }
0xa3: {  	[timem:s8], [sflag:s22] =	dma.local [hbm:s6], s20  }
0xa4: {  	_ =	swait.ge [sflag:s22], s20  }
0xa5: {  	s5 =	ssub.s32 $0x0, s20;
	[sflag:s22] =	ssyncset.done $0x0  }
0xa6: {  	[sflag:s22] =	ssyncadd.s32 s5;
	_ =	sdelay $0x1  }
0xa7: {  	s23 =	simm.s32 $0x1B8B  }
0xa8: {  	_ =	swait.ge [sflag:s23], $0x1  }
0xa9: {  	[sflag:s23] =	ssyncset.done $0x0  }
0xaa: {  	s25 =	simm.s32 $0x1B8E;
	s24 =	sld [smem:$0x3FFE];
	[sflag:s23] =	ssyncadd.s32 $0xFFFFFFFF  }
0xab: {  	s26 =	simm.s32 $execute0_lowered;
	[smem:$0x3FD2] =	sst s25  }
0xac: {  	s6 =	sshll.u32 s26, $0x1;
	_ =	strace $0x80000049;
	[dreg:$0x1] =	wrdreg $0xFFFFFFFF  }
0xad: {  	s28 =	simm.s32 $_size_execute0_lowered;
	s4 =	sadd.s32 s4, s6;
	[dreg:$0x0] =	wrdreg $0x0  }
0xae: {  	s6 =	sshll.u32 s28, $0x1;
	[dreg:$0x2] =	wrdreg s4  }
0xaf: {  	[dreg:$0x3] =	wrdreg s6  }
0xb0: {  	[dreg:$0x4] =	wrdreg $0xC0  }
0xb1: {  	_ =	task [dreg:s8], $0x5FFFF  }
0xb2: {  	[dreg:$0x1] =	wrdreg $0xFFFFFFFF  }
0xb3: {  	[dreg:$0x0] =	wrdreg $0x60  }
0xb4: {  	[dreg:$0x2] =	wrdreg s16  }
0xb5: {  	[dreg:$0x3] =	wrdreg s17  }
0xb6: {  	[dreg:$0x4] =	wrdreg s24  }
0xb7: {  	[dreg:$0x5] =	wrdreg $0x40800  }
0xb8: {  	[dreg:$0x6] =	wrdreg $0x9  }
0xb9: {  	_ =	task.clear_ibuf [dreg:s8], $0x7FFFF;
	_ =	strace $0x90000049  }
0xba: {  	s29 =	simm.s32 $0x9;
	_ =	strace $0x8000004B  }
0xbb: {  	_ =	swait.ge [sflag:s29], $0x1  }
0xbc: {  	[sflag:s29] =	ssyncadd.s32 $0xFFFFFFFF  }
0xbd: {  	_ =	strace $0x9000004B  }
0xbe: {  	_ =	sfence  }
0xbf: {  	s30 =	sld [smem:$0x0];
	_ =	sdelay $0x2  }
0xc0: {  	s31 =	sshll.u32 s1, $0xD;
	s1 =	sshrl.u32 s1, $0x2  }
0xc1: {  	s3 =	sand.u32 $0x4000, s31;
	s1 =	sadd.s32 s1, s30  }
0xc2: {  	s0 =	sor.u32 s3, s0;
	s1 =	sshll.u32 s1, $0x11  }
0xc3: {  	s0 =	sor.u32 s1, s0  }
0xc4: {  	s0 =	sadd.s32 $0x8F2B, s0  }
0xc5: {  	[sflag:s0] =	ssyncadd.remote.s32 $0x1  }
0xc6: {  	_ =	sfence.sel $0xFFFF  }
0xc7: {  	[dreg:$0x0] =	wrdreg $0xFFFFFFFF;
	(pc) =	sbr.abs _section_cstart, $3  }
0xc8: {  	[dreg:$0x1] =	wrdreg $0xFFFFFFFF  }
0xc9: {  	_ =	task.clear_ibuf [dreg:s8], $0x2FFFF;
	_ =	strace $0x9FFFFFFF  }
0xca: {  	(tm) =	ssettm $0x7FFFFFFF  }
0xcb: {  	_ =	shalt  }
tec
execute0_lowered:
.L_overlay_start_1:
0x0: {  	(tag) =	ssettag $0x1  }
0x1: {  	s1 =	rddreg [dreg:$0x0]  }
0x2: {  	s0 =	rddreg [dreg:$0x1]  }
0x3: {  	s3 =	rddreg [dreg:$0x2]  }
0x4: {  	s2 =	rddreg [dreg:$0x3];
	s14 =	stileid.u32  }
0x5: {  	s4 =	simm.s32 $0x0;
	s5 =	srdreg.scid;
	s7 =	smul.u32 $0x61A80, s14  }
0x6: {  	s28 =	simm.s32 $0x100;
	s29 =	simm.s32 $0x2140;
	s9 =	smul.u32 $0x190, s14  }
0x7: {  	s30 =	simm.s32 $0x1;
	s31 =	simm.s32 $0x3;
	s23 =	smul.u32 $0x30D400, s14  }
0x8: {  	[smem:$0x7FF] =	sst s4;
	s5 =	sand.u32 $0x1, s5;
	s10 =	smul.u32 $0x1900, s14  }
0x9: {  	s6 =	sadd.s32 $0x2800, s3;
	s11 =	sshll.u32 s14, $0x6;
	s26 =	smul.u32 $0xC800, s14  }
0xa: {  	_ =	strace $0x8000004A;
	[dreg:$0x5] =	wrdreg s6;
	s6 =	sadd.s32 $0x5A00, s3  }
0xb: {  	s22 =	ssub.s32 $0x2, s5;
	s5 =	sshll.u32 s5, $0x5;
	s24 =	sor.u32 $0x1C07, s11  }
0xc: {  	s8 =	sshrl.u32 s22, $0x1;
	s7 =	sshrl.u32 s7, $0x2;
	s9 =	sor.u32 $0x2, s9  }
0xd: {  	s12 =	sor.u32 s5, s23;
	[dreg:$0x6] =	wrdreg s24;
	s16 =	sor.u32 $0x200, s26  }
0xe: {  	s11 =	sor.u32 $0x300, s26;
	s3 =	ssub.s32 s22, s8;
	s7 =	sadd.s32 s7, s2  }
0xf: {  	s13 =	smul.u32 $0x1F40, s9;
	s22 =	sadd.s32 s0, s10;
	s25 =	sshrl.u32 s12, $0x3  }
0x10: {  	s9 =	sshll.u32 s9, $0x4;
	s18 =	sshrl.u32 s16, $0x3;
	s19 =	sshrl.u32 s11, $0x3  }
0x11: {  	s20 =	sadd.s32 $0xBB80, s12;
	s24 =	sadd.s32 $0x7D00, s12;
	s11 =	simm.s32 $0x180  }
0x12: {  	s12 =	simm.s32 $0x30E0;
	s14 =	sadd.s32 s0, s9;
	s3 =	smax.u32 s3, $0x1  }
0x13: {  	s17 =	sadd.s32 s6, s25;
	s21 =	sshrl.u32 s20, $0x3;
	[dreg:$0x10] =	wrdreg s24  }
0x14: {  	s23 =	sadd.s32 $0x60, s22;
	s26 =	sshrl.u32 s7, $0x3;
	[dreg:$0x8] =	wrdreg s14  }
0x15: {  	s24 =	simm.s32 $0x20;
	s7 =	simm.s32 $0x2;
	[dreg:$0xa] =	wrdreg s3  }
0x16: {  	s9 =	simm.s32 $0x4;
	s5 =	sor.u32 s5, s13;
	[dreg:$0xb] =	wrdreg s17  }
0x17: {  	s13 =	sadd.s32 s1, s25;
	s3 =	sadd.s32 s0, s18;
	[dreg:$0xf] =	wrdreg s23  }
0x18: {  	s0 =	sadd.s32 s0, s19;
	s18 =	sadd.s32 s21, s1;
	[dreg:$0x12] =	wrdreg s26  }
0x19: {  	s20 =	sadd.s32 s21, s6;
	s25 =	sadd.s32 $0xA0, s22;
	[dreg:$0x7] =	wrdreg s13  }
0x1a: {  	s23 =	simm.s32 $0x7;
	s26 =	simm.s32 $0x200;
	[dreg:$0xc] =	wrdreg s3  }
.Ltmp0:
0x1b: {  	s14 =	simm.s32 $0x6;
	[dreg:$0xe] =	wrdreg s0;
	(pc) =	sbr.rel .LBB2_1-.Ltmp0, $4  }
0x1c: {  	s5 =	sshrl.u32 s5, $0x3;
	[dreg:$0x11] =	wrdreg s25;
	s25 =	simm.s32 $0x40  }
0x1d: {  	s0 =	simm.s32 $0x7D;
	s3 =	simm.s32 $0x80;
	s15 =	sadd.s32 s1, s5  }
0x1e: {  	s13 =	simm.s32 $0x5;
	s5 =	sadd.s32 s6, s5;
	[dreg:$0x9] =	wrdreg s15  }
0x1f: {  	[dreg:$0xd] =	wrdreg s5;
	s5 =	simm.s32 $0x11A0;
	s15 =	simm.s32 $0x0  }
.LBB2_6:
0x20: {  	_ =	swait.ge [sflag:s13], $0x1F40  }
0x21: {  	[sflag:s13] =	ssyncset.done $0x0  }
0x22: {  	[sflag:s13] =	ssyncadd.s32 $0xFFFFE0C0  }
0x23: {  	_ =	swait.ge [sflag:s14], $0x1F40  }
0x24: {  	s15 =	sadd.s32 $0x1, s15;
	s8 =	rddreg [dreg:$0xa]  }
0x25: {  	p0 =	sne.s32 s15, s8  }
.Ltmp1:
0x26: {  	_ = 	snop;
	(pc) =	sbr.rel @!p0 .LBB2_7-.Ltmp1, $3  }
0x27: {  	_ =	sdelay $0x1  }
0x28: {  	[sflag:s14] =	ssyncset.done $0x0  }
0x29: {  	[sflag:s14] =	ssyncadd.s32 $0xFFFFE0C0  }
.LBB2_1:
0x2a: {  	s8 =	rddreg [dreg:$0x5]  }
0x2b: {  	s10 =	rddreg [dreg:$0x6]  }
0x2c: {  	s16 =	rddreg [dreg:$0x12]  }
0x2d: {  	[spmem:s16], [sflag:s10] =	dma.local [hbm:s8], $0x30D4  }
0x2e: {  	_ =	swait.ge [sflag:s23], $0x30D4  }
0x2f: {  	[sflag:s23] =	ssyncset.done $0x0  }
0x30: {  	[sflag:s23] =	ssyncadd.s32 $0xFFFFCF2C  }
0x31: {  	[bflag:$0x0] =	sbarrier.arrive $0xFFFF  }
0x32: {  	[tilespmem:s4], [sflag:$0x1] =	stream.linear.gather [hbm4b:s22+s4], $0x100, $0x38;
	[tilespmem:$0x1C720] =	vst v63  }
0x33: {  	s21 =	rddreg [dreg:$0x7]  }
0x34: {  	[tilespmem:s26], [sflag:$0x3] =	stream.strided.gather [hbm4b:s21+s24], $0x1F40, s25, s24, $0x38;
	[tilespmem:$0x1C720] =	vst v63  }
0x35: {  	s19 =	smov.u32 s22;
	s22 =	rddreg [dreg:$0x8]  }
0x36: {  	[tilespmem:s28], [sflag:$0x2] =	stream.linear.gather [hbm4b:s22+s4], $0x100, $0x38;
	[tilespmem:$0x1C720] =	vst v63  }
0x37: {  	s10 =	rddreg [dreg:$0x9]  }
0x38: {  	[tilespmem:s29], [sflag:$0x4] =	stream.strided.gather [hbm4b:s10+s24], $0x1F40, s25, s24, $0x38;
	[tilespmem:$0x1C720] =	vst v63  }
0x39: {  	_ =	swait.ge [sflag:s30], $0x100  }
0x3a: {  	[sflag:s30] =	ssyncset.done $0x0  }
0x3b: {  	[sflag:s30] =	ssyncadd.s32 $0xFFFFFF00  }
0x3c: {  	_ =	swait.ge [sflag:s31], $0x1F40  }
0x3d: {  	[sflag:s31] =	ssyncset.done $0x0  }
0x3e: {  	[sflag:s31] =	ssyncadd.s32 $0xFFFFE0C0  }
0x3f: {  	[spmem:s2] =	stream.indirect.scatter.add.f32 [tilespmem:s26], [sflag:$0x7], $0x20, s4, s0, $0xb8;
	[tilespmem:$0x1C720] =	vst v63  }
0x40: {  	_ =	swait.ge [sflag:s23], $0xFA0  }
0x41: {  	[sflag:s23] =	ssyncset.done $0x0  }
0x42: {  	[sflag:s23] =	ssyncadd.s32 $0xFFFFF060  }
0x43: {  	[spmem:s2] =	stream.indirect.scatter.add.f32 [tilespmem:s5], [sflag:$0x7], $0x20, s3, s0, $0xb8;
	[tilespmem:$0x1C720] =	vst v63  }
0x44: {  	_ =	swait.ge [sflag:s23], $0xFA0  }
0x45: {  	s8 =	rddreg [dreg:$0xf]  }
0x46: {  	[sflag:s23] =	ssyncset.done $0x0;
	s17 =	rddreg [dreg:$0x10]  }
0x47: {  	[sflag:s23] =	ssyncadd.s32 $0xFFFFF060;
	s16 =	sadd.s32 $0xFFFFFFE0, s8;
	s21 =	sshrl.u32 s17, $0x3  }
0x48: {  	[tilespmem:s4], [sflag:$0x1] =	stream.linear.gather [hbm4b:s16+s4], $0x100, $0x38;
	[tilespmem:$0x1C720] =	vst v63  }
0x49: {  	s22 =	sadd.s32 s1, s21  }
0x4a: {  	[tilespmem:s26], [sflag:$0x3] =	stream.strided.gather [hbm4b:s22+s24], $0x1F40, s25, s24, $0x38;
	[tilespmem:$0x1C720] =	vst v63  }
0x4b: {  	_ =	swait.ge [sflag:s7], $0x100  }
0x4c: {  	[sflag:s7] =	ssyncset.done $0x0  }
0x4d: {  	[sflag:s7] =	ssyncadd.s32 $0xFFFFFF00  }
0x4e: {  	_ =	swait.ge [sflag:s9], $0x1F40  }
0x4f: {  	[sflag:s9] =	ssyncset.done $0x0  }
0x50: {  	[sflag:s9] =	ssyncadd.s32 $0xFFFFE0C0  }
0x51: {  	[spmem:s2] =	stream.indirect.scatter.add.f32 [tilespmem:s29], [sflag:$0x7], $0x20, s28, s0, $0xb8;
	[tilespmem:$0x1C720] =	vst v63  }
0x52: {  	_ =	swait.ge [sflag:s23], $0xFA0  }
0x53: {  	[sflag:s23] =	ssyncset.done $0x0  }
0x54: {  	[sflag:s23] =	ssyncadd.s32 $0xFFFFF060  }
0x55: {  	[spmem:s2] =	stream.indirect.scatter.add.f32 [tilespmem:s12], [sflag:$0x7], $0x20, s11, s0, $0xb8;
	[tilespmem:$0x1C720] =	vst v63  }
0x56: {  	_ =	swait.ge [sflag:s23], $0xFA0  }
0x57: {  	s10 =	sadd.s32 $0x0, s18;
	s16 =	simm.s32 $0xFA0;
	[sflag:s23] =	ssyncset.done $0x0  }
0x58: {  	s21 =	sadd.s32 $0x7D00, s17;
	s22 =	sadd.s32 $0x40, s8;
	[sflag:s23] =	ssyncadd.s32 $0xFFFFF060  }
0x59: {  	[tilespmem:s28], [sflag:$0x2] =	stream.linear.gather [hbm4b:s8+s4], $0x100, $0x38;
	[tilespmem:$0x1C720] =	vst v63  }
.LBB2_2:
0x5a: {  	[tilespmem:s29], [sflag:$0x4] =	stream.strided.gather [hbm4b:s10+s24], $0x1F40, s25, s24, $0x38;
	[tilespmem:$0x1C720] =	vst v63  }
0x5b: {  	s10 =	smov.u32 s16  }
0x5c: {  	p0 =	sne.s32 s16, $0x5FB40;
	s16 =	sadd.s32 $0xFA0, s16;
	_ =	swait.ge [sflag:s30], $0x100  }
0x5d: {  	[sflag:s30] =	ssyncset.done $0x0  }
0x5e: {  	[sflag:s30] =	ssyncadd.s32 $0xFFFFFF00  }
0x5f: {  	_ =	swait.ge [sflag:s31], $0x1F40  }
0x60: {  	[sflag:s31] =	ssyncset.done $0x0  }
0x61: {  	[sflag:s31] =	ssyncadd.s32 $0xFFFFE0C0  }
0x62: {  	[spmem:s2] =	stream.indirect.scatter.add.f32 [tilespmem:s26], [sflag:$0x7], $0x20, s4, s0, $0xb8;
	[tilespmem:$0x1C720] =	vst v63  }
0x63: {  	_ =	swait.ge [sflag:s23], $0xFA0  }
0x64: {  	[sflag:s23] =	ssyncset.done $0x0  }
0x65: {  	[sflag:s23] =	ssyncadd.s32 $0xFFFFF060  }
0x66: {  	[spmem:s2] =	stream.indirect.scatter.add.f32 [tilespmem:s5], [sflag:$0x7], $0x20, s3, s0, $0xb8;
	[tilespmem:$0x1C720] =	vst v63  }
0x67: {  	_ =	swait.ge [sflag:s23], $0xFA0  }
0x68: {  	[sflag:s23] =	ssyncset.done $0x0  }
0x69: {  	s8 =	sadd.s32 $0xFFFFFFE0, s22;
	s17 =	sshrl.u32 s21, $0x3;
	[sflag:s23] =	ssyncadd.s32 $0xFFFFF060  }
0x6a: {  	[tilespmem:s4], [sflag:$0x1] =	stream.linear.gather [hbm4b:s8+s4], $0x100, $0x38;
	[tilespmem:$0x1C720] =	vst v63  }
0x6b: {  	s8 =	sadd.s32 s1, s17  }
0x6c: {  	[tilespmem:s26], [sflag:$0x3] =	stream.strided.gather [hbm4b:s8+s24], $0x1F40, s25, s24, $0x38;
	[tilespmem:$0x1C720] =	vst v63  }
0x6d: {  	_ =	swait.ge [sflag:s7], $0x100  }
0x6e: {  	[sflag:s7] =	ssyncset.done $0x0  }
0x6f: {  	[sflag:s7] =	ssyncadd.s32 $0xFFFFFF00  }
0x70: {  	_ =	swait.ge [sflag:s9], $0x1F40  }
0x71: {  	[sflag:s9] =	ssyncset.done $0x0  }
0x72: {  	[sflag:s9] =	ssyncadd.s32 $0xFFFFE0C0  }
0x73: {  	[spmem:s2] =	stream.indirect.scatter.add.f32 [tilespmem:s29], [sflag:$0x7], $0x20, s28, s0, $0xb8;
	[tilespmem:$0x1C720] =	vst v63  }
0x74: {  	_ =	swait.ge [sflag:s23], $0xFA0  }
0x75: {  	[sflag:s23] =	ssyncset.done $0x0  }
0x76: {  	[sflag:s23] =	ssyncadd.s32 $0xFFFFF060  }
0x77: {  	[spmem:s2] =	stream.indirect.scatter.add.f32 [tilespmem:s12], [sflag:$0x7], $0x20, s11, s0, $0xb8;
	[tilespmem:$0x1C720] =	vst v63  }
.Ltmp2:
0x78: {  	_ =	swait.ge [sflag:s23], $0xFA0;
	(pc) =	sbr.rel @p0 .LBB2_2-.Ltmp2, $4  }
0x79: {  	[sflag:s23] =	ssyncset.done $0x0  }
0x7a: {  	[sflag:s23] =	ssyncadd.s32 $0xFFFFF060  }
0x7b: {  	[tilespmem:s28], [sflag:$0x2] =	stream.linear.gather [hbm4b:s22+s4], $0x100, $0x38;
	[tilespmem:$0x1C720] =	vst v63  }
0x7c: {  	s21 =	sadd.s32 $0x7D00, s21;
	s10 =	sadd.s32 s10, s18;
	s22 =	sadd.s32 $0x40, s22  }
0x7d: {  	[tilespmem:s29], [sflag:$0x4] =	stream.strided.gather [hbm4b:s10+s24], $0x1F40, s25, s24, $0x38;
	[tilespmem:$0x1C720] =	vst v63  }
0x7e: {  	_ =	swait.ge [sflag:s30], $0x100  }
0x7f: {  	[sflag:s30] =	ssyncset.done $0x0  }
0x80: {  	[sflag:s30] =	ssyncadd.s32 $0xFFFFFF00  }
0x81: {  	_ =	swait.ge [sflag:s31], $0x1F40  }
0x82: {  	[sflag:s31] =	ssyncset.done $0x0  }
0x83: {  	s16 =	simm.s32 $0x0;
	[sflag:s31] =	ssyncadd.s32 $0xFFFFE0C0  }
0x84: {  	[spmem:s2] =	stream.indirect.scatter.add.f32 [tilespmem:s26], [sflag:$0x7], $0x20, s16, s0, $0xb8;
	[tilespmem:$0x1C720] =	vst v63  }
0x85: {  	_ =	swait.ge [sflag:s23], $0xFA0  }
0x86: {  	[sflag:s23] =	ssyncset.done $0x0  }
0x87: {  	[sflag:s23] =	ssyncadd.s32 $0xFFFFF060  }
0x88: {  	[spmem:s2] =	stream.indirect.scatter.add.f32 [tilespmem:s5], [sflag:$0x7], $0x20, s3, s0, $0xb8;
	[tilespmem:$0x1C720] =	vst v63  }
0x89: {  	_ =	swait.ge [sflag:s23], $0xFA0  }
0x8a: {  	[sflag:s23] =	ssyncset.done $0x0  }
0x8b: {  	[sflag:s23] =	ssyncadd.s32 $0xFFFFF060  }
0x8c: {  	_ =	swait.ge [sflag:s7], $0x100  }
0x8d: {  	[sflag:s7] =	ssyncset.done $0x0  }
0x8e: {  	[sflag:s7] =	ssyncadd.s32 $0xFFFFFF00  }
0x8f: {  	_ =	swait.ge [sflag:s9], $0x1F40  }
0x90: {  	[sflag:s9] =	ssyncset.done $0x0  }
0x91: {  	[sflag:s9] =	ssyncadd.s32 $0xFFFFE0C0  }
0x92: {  	[spmem:s2] =	stream.indirect.scatter.add.f32 [tilespmem:s29], [sflag:$0x7], $0x20, s28, s0, $0xb8;
	[tilespmem:$0x1C720] =	vst v63  }
0x93: {  	_ =	swait.ge [sflag:s23], $0xFA0  }
0x94: {  	[sflag:s23] =	ssyncset.done $0x0  }
0x95: {  	[sflag:s23] =	ssyncadd.s32 $0xFFFFF060  }
0x96: {  	[spmem:s2] =	stream.indirect.scatter.add.f32 [tilespmem:s12], [sflag:$0x7], $0x20, s11, s0, $0xb8;
	[tilespmem:$0x1C720] =	vst v63  }
0x97: {  	_ =	swait.ge [sflag:s23], $0xFA0  }
0x98: {  	[sflag:s23] =	ssyncset.done $0x0  }
0x99: {  	[sflag:s23] =	ssyncadd.s32 $0xFFFFF060  }
0x9a: {  	[bflag:$0x0] =	sbarrier.arrive $0xFFFF  }
0x9b: {  	[tilespmem:s16], [sflag:$0x1] =	stream.linear.gather [hbm4b:s19+s16], $0x100, $0x38;
	[tilespmem:$0x1C720] =	vst v63  }
0x9c: {  	s8 =	rddreg [dreg:$0x8]  }
0x9d: {  	[tilespmem:s28], [sflag:$0x2] =	stream.linear.gather [hbm4b:s8+s16], $0x100, $0x38;
	[tilespmem:$0x1C720] =	vst v63  }
0x9e: {  	_ =	swait.ge [sflag:s30], $0x100  }
0x9f: {  	[sflag:s30] =	ssyncset.done $0x0  }
0xa0: {  	[sflag:s30] =	ssyncadd.s32 $0xFFFFFF00  }
0xa1: {  	[tilespmem:s26], [sflag:$0x7] =	stream.indirect.gather [spmem:s2], $0x20, s16, s0, $0xb8;
	[tilespmem:$0x1C720] =	vst v63  }
0xa2: {  	_ =	swait.ge [sflag:s23], $0xFA0  }
0xa3: {  	[sflag:s23] =	ssyncset.done $0x0  }
0xa4: {  	[sflag:s23] =	ssyncadd.s32 $0xFFFFF060  }
0xa5: {  	[tilespmem:s5], [sflag:$0x7] =	stream.indirect.gather [spmem:s2], $0x20, s3, s0, $0xb8;
	[tilespmem:$0x1C720] =	vst v63  }
0xa6: {  	_ =	swait.ge [sflag:s23], $0xFA0  }
0xa7: {  	[sflag:s23] =	ssyncset.done $0x0  }
0xa8: {  	s10 =	rddreg [dreg:$0xb];
	[sflag:s23] =	ssyncadd.s32 $0xFFFFF060  }
0xa9: {  	[hbm4b:s10+s24] =	stream.strided.scatter [tilespmem:s26], [sflag:$0x5], $0x1F40, s25, s24, $0x38;
	[tilespmem:$0x1C720] =	vst v63  }
0xaa: {  	s17 =	rddreg [dreg:$0xc]  }
0xab: {  	[tilespmem:s16], [sflag:$0x1] =	stream.linear.gather [hbm4b:s17+s16], $0x100, $0x38;
	[tilespmem:$0x1C720] =	vst v63  }
0xac: {  	_ =	swait.ge [sflag:s7], $0x100  }
0xad: {  	[sflag:s7] =	ssyncset.done $0x0  }
0xae: {  	[sflag:s7] =	ssyncadd.s32 $0xFFFFFF00  }
0xaf: {  	[tilespmem:s29], [sflag:$0x7] =	stream.indirect.gather [spmem:s2], $0x20, s28, s0, $0xb8;
	[tilespmem:$0x1C720] =	vst v63  }
0xb0: {  	_ =	swait.ge [sflag:s23], $0xFA0  }
0xb1: {  	[sflag:s23] =	ssyncset.done $0x0  }
0xb2: {  	[sflag:s23] =	ssyncadd.s32 $0xFFFFF060  }
0xb3: {  	[tilespmem:s12], [sflag:$0x7] =	stream.indirect.gather [spmem:s2], $0x20, s11, s0, $0xb8;
	[tilespmem:$0x1C720] =	vst v63  }
0xb4: {  	_ =	swait.ge [sflag:s23], $0xFA0  }
0xb5: {  	s22 =	smov.u32 s19;
	[sflag:s23] =	ssyncset.done $0x0;
	s19 =	rddreg [dreg:$0xd]  }
0xb6: {  	s21 =	rddreg [dreg:$0xe];
	[sflag:s23] =	ssyncadd.s32 $0xFFFFF060  }
0xb7: {  	[hbm4b:s19+s24] =	stream.strided.scatter [tilespmem:s29], [sflag:$0x6], $0x1F40, s25, s24, $0x38;
	[tilespmem:$0x1C720] =	vst v63  }
0xb8: {  	s10 =	rddreg [dreg:$0x11]  }
0xb9: {  	[tilespmem:s28], [sflag:$0x2] =	stream.linear.gather [hbm4b:s21+s16], $0x100, $0x38;
	[tilespmem:$0x1C720] =	vst v63  }
0xba: {  	s21 =	rddreg [dreg:$0x10]  }
.LBB2_4:
0xbb: {  	_ =	swait.ge [sflag:s30], $0x100  }
0xbc: {  	[sflag:s30] =	ssyncset.done $0x0  }
0xbd: {  	[sflag:s30] =	ssyncadd.s32 $0xFFFFFF00  }
0xbe: {  	_ =	swait.ge [sflag:s13], $0x1F40  }
0xbf: {  	[sflag:s13] =	ssyncset.done $0x0  }
0xc0: {  	[sflag:s13] =	ssyncadd.s32 $0xFFFFE0C0  }
0xc1: {  	[tilespmem:s26], [sflag:$0x7] =	stream.indirect.gather [spmem:s2], $0x20, s4, s0, $0xb8;
	[tilespmem:$0x1C720] =	vst v63  }
0xc2: {  	_ =	swait.ge [sflag:s23], $0xFA0  }
0xc3: {  	[sflag:s23] =	ssyncset.done $0x0  }
0xc4: {  	[sflag:s23] =	ssyncadd.s32 $0xFFFFF060  }
0xc5: {  	[tilespmem:s5], [sflag:$0x7] =	stream.indirect.gather [spmem:s2], $0x20, s3, s0, $0xb8;
	[tilespmem:$0x1C720] =	vst v63  }
0xc6: {  	_ =	swait.ge [sflag:s23], $0xFA0  }
0xc7: {  	s8 =	sshrl.u32 s21, $0x3;
	[sflag:s23] =	ssyncset.done $0x0  }
0xc8: {  	p0 =	seq.s32 s16, $0x5FB40;
	s8 =	sadd.s32 s6, s8;
	[sflag:s23] =	ssyncadd.s32 $0xFFFFF060  }
0xc9: {  	[hbm4b:s8+s24] =	stream.strided.scatter [tilespmem:s26], [sflag:$0x5], $0x1F40, s25, s24, $0x38;
	[tilespmem:$0x1C720] =	vst v63  }
0xca: {  	s17 =	simm.s32 @!p0 $0x0;
	s8 =	sadd.s32 @!p0 $0xFFFFFFE0, s10  }
0xcb: {  	[tilespmem:s17], [sflag:$0x1] =	stream.linear.gather @!p0 [hbm4b:s8+s17], $0x100, $0x38;
	[tilespmem:$0x1C720] =	vst v63  }
0xcc: {  	_ =	swait.ge [sflag:s7], $0x100  }
0xcd: {  	[sflag:s7] =	ssyncset.done $0x0  }
0xce: {  	[sflag:s7] =	ssyncadd.s32 $0xFFFFFF00  }
0xcf: {  	_ =	swait.ge [sflag:s14], $0x1F40  }
0xd0: {  	[sflag:s14] =	ssyncset.done $0x0  }
0xd1: {  	[sflag:s14] =	ssyncadd.s32 $0xFFFFE0C0  }
0xd2: {  	[tilespmem:s29], [sflag:$0x7] =	stream.indirect.gather [spmem:s2], $0x20, s28, s0, $0xb8;
	[tilespmem:$0x1C720] =	vst v63  }
0xd3: {  	_ =	swait.ge [sflag:s23], $0xFA0  }
0xd4: {  	[sflag:s23] =	ssyncset.done $0x0  }
0xd5: {  	[sflag:s23] =	ssyncadd.s32 $0xFFFFF060  }
0xd6: {  	[tilespmem:s12], [sflag:$0x7] =	stream.indirect.gather [spmem:s2], $0x20, s11, s0, $0xb8;
	[tilespmem:$0x1C720] =	vst v63  }
.Ltmp3:
0xd7: {  	_ = 	snop;
	(pc) =	sbr.rel @p0 .LBB2_6-.Ltmp3, $4  }
0xd8: {  	_ =	swait.ge [sflag:s23], $0xFA0  }
0xd9: {  	[sflag:s23] =	ssyncset.done $0x0  }
0xda: {  	s19 =	sadd.s32 s16, s20;
	[sflag:s23] =	ssyncadd.s32 $0xFFFFF060  }
0xdb: {  	[hbm4b:s19+s24] =	stream.strided.scatter [tilespmem:s29], [sflag:$0x6], $0x1F40, s25, s24, $0x38;
	[tilespmem:$0x1C720] =	vst v63  }
.Ltmp4:
0xdc: {  	(pc) =	sbr.rel .LBB2_4-.Ltmp4, $3  }
0xdd: {  	_ =	sdelay $0x1  }
0xde: {  	[tilespmem:s28], [sflag:$0x2] =	stream.linear.gather [hbm4b:s10+s4], $0x100, $0x38;
	[tilespmem:$0x1C720] =	vst v63  }
0xdf: {  	s16 =	sadd.s32 $0xFA0, s16;
	s21 =	sadd.s32 $0x7D00, s21;
	s10 =	sadd.s32 $0x40, s10  }
.LBB2_7:
0xe0: {  	_ =	sfence.sel $0x180000  }
0xe1: {  	[bflag:$0x0] =	sbarrier.arrive $0xFFFF  }
0xe2: {  	_ =	strace $0x9000004A  }
0xe3: {  	s0 =	stileid.u32;
	[bflag:$0x2] =	sbarrier.arrive $0xFFFF  }
0xe4: {  	p0 =	sne.s32 s0, $0x0;
	s0 =	rddreg [dreg:$0x4]  }
0xe5: {  	s0 =	sadd.s32 @!p0 $0x100000, s0  }
0xe6: {  	[sflag:s0] =	ssyncadd.tile.s32 @!p0 $0x1;
	_ =	shalt  }
.Lfunc_end2:
_tile_overlayer_lowered:
.L_overlay_start_2:
0xe7: {  	(tag) =	ssettag $0x2  }
0xe8: {  	s0 =	rddreg [dreg:$0x0];
	s2 =	stileid.u32  }
0xe9: {  	s1 =	rddreg [dreg:$0x1];
	p0 =	sne.s32 s2, $0x0  }
0xea: {  	s3 =	rddreg [dreg:$0x2];
	[bflag:$0x3] =	sbarrier.arrive $0xFFFF;
	s2 =	simm.s32 @!p0 $0x1C07  }
0xeb: {  	[timem:s3], [sflag:s2] =	dma.local @!p0 [hbm:s0], s1  }
0xec: {  	s0 =	simm.s32 @!p0 $0x7  }
0xed: {  	_ =	swait.ge @!p0 [sflag:s0], s1  }
0xee: {  	s1 =	ssub.s32 @!p0 $0x0, s1;
	[sflag:s0] =	ssyncset.done @!p0 $0x0  }
0xef: {  	[sflag:s0] =	ssyncadd.s32 @!p0 s1  }
0xf0: {  	[bflag:$0x3] =	sbarrier.arrive $0xFFFF  }
0xf1: {  	_ =	shalt  }

</sc_bundles>
